<compile_context>
chip_gen: v7x
topology: tpu7x:2x2x1
jax: 0.10.2.dev20260603
libtpu: 0.0.44.dev20260713+nightly
codegen_flags: <defaults>
</compile_context>

<pallas_src>
import functools

import jax
import jax.numpy as jnp
from jax import lax
from jax.experimental import pallas as pl
from jax.experimental.pallas import tpu as pltpu
from jax.experimental.pallas import tpu_sc as plsc

N = 10000
E = 320000
D = 128

NC = 2
NS = 16
NW = NC * NS

CHUNK = 80
NSLOT = 4
EPW = E // NW
NCHUNK = EPW // CHUNK
NGROUP = NCHUNK // NSLOT

NPAD = 10240
RPT = NPAD // NS


def _sc_aggregate(x, edge_index):
    mesh = plsc.VectorSubcoreMesh(core_axis_name="c", subcore_axis_name="s")

    @functools.partial(
        pl.kernel,
        mesh=mesh,
        out_type=jax.ShapeDtypeStruct((NC, NPAD, D), jnp.float32),
        scratch_types=(
            [pltpu.VMEM((CHUNK,), jnp.int32) for _ in range(2 * NSLOT)]
            + [pltpu.VMEM((CHUNK,), jnp.int32) for _ in range(2 * NSLOT)]
            + [pltpu.VMEM((CHUNK, D), jnp.float32) for _ in range(NSLOT)]
            + [pltpu.VMEM_SHARED((NPAD, D), jnp.float32)]
            + [pltpu.SemaphoreType.DMA for _ in range(4 * NSLOT)]
        ),
    )
    def agg_kernel(x_hbm, e_hbm, out_hbm, *scr):
        sidx = (scr[0:NSLOT], scr[NSLOT:2 * NSLOT])
        didx = (scr[2 * NSLOT:3 * NSLOT], scr[3 * NSLOT:4 * NSLOT])
        rows = scr[4 * NSLOT:5 * NSLOT]
        acc = scr[5 * NSLOT]
        base = 5 * NSLOT + 1
        isem = (scr[base:base + NSLOT], scr[base + NSLOT:base + 2 * NSLOT])
        gsem = scr[base + 2 * NSLOT:base + 3 * NSLOT]
        ssem = scr[base + 3 * NSLOT:base + 4 * NSLOT]

        c = lax.axis_index("c")
        s = lax.axis_index("s")
        wid = s * NC + c
        ebase = wid * EPW

        def issue_idx(k, p, t):
            off = ebase + (k * NSLOT + t) * CHUNK
            pltpu.async_copy(e_hbm.at[pl.ds(off, CHUNK)],
                             sidx[p][t], isem[p][t])
            pltpu.async_copy(e_hbm.at[pl.ds(E + off, CHUNK)],
                             didx[p][t], isem[p][t])

        for t in range(NSLOT):
            issue_idx(0, 0, t)

        def zero_row(r, carry):
            for c0 in range(0, D, 16):
                rows[0][r, pl.ds(c0, 16)] = jnp.zeros((16,), jnp.float32)
            return carry
        lax.fori_loop(0, CHUNK, zero_row, 0)
        for t in range(RPT // CHUNK):
            pltpu.sync_copy(rows[0], acc.at[pl.ds(s * RPT + t * CHUNK, CHUNK)])
        plsc.subcore_barrier()

        def wait_idx(k, p, t):
            off = ebase + (k * NSLOT + t) * CHUNK
            pltpu.make_async_copy(e_hbm.at[pl.ds(off, CHUNK)],
                                  sidx[p][t], isem[p][t]).wait()
            pltpu.make_async_copy(e_hbm.at[pl.ds(E + off, CHUNK)],
                                  didx[p][t], isem[p][t]).wait()

        def wait_scatter(t):
            pltpu.make_async_copy(rows[t], acc.at[didx[0][t]], ssem[t]).wait()

        def run_group(k, cur, nxt, prefetch, first):
            if first:
                @pl.when(k > 0)
                def _():
                    for t in range(NSLOT):
                        wait_scatter(t)
            else:
                for t in range(NSLOT):
                    wait_scatter(t)
            if prefetch:
                for t in range(NSLOT):
                    issue_idx(k + 1, nxt, t)
            gdescs = []
            for t in range(NSLOT):
                wait_idx(k, cur, t)
                gdescs.append(
                    pltpu.async_copy(x_hbm.at[sidx[cur][t]], rows[t],
                                     gsem[t]))
            for t in range(NSLOT):
                gdescs[t].wait()
                pltpu.async_copy(rows[t], acc.at[didx[cur][t]], ssem[t],
                                 add=True)

        def dgroup(m, carry):
            k = 2 * m
            run_group(k, 0, 1, True, True)
            run_group(k + 1, 1, 0, True, False)
            return carry
        lax.fori_loop(0, (NGROUP - 1) // 2, dgroup, 0)
        run_group(NGROUP - 1, 0, 1, False, False)
        for t in range(NSLOT):
            wait_scatter(t)
        off = ebase + NGROUP * NSLOT * CHUNK
        pltpu.sync_copy(e_hbm.at[pl.ds(off, CHUNK)], sidx[0][0])
        pltpu.sync_copy(e_hbm.at[pl.ds(E + off, CHUNK)], didx[0][0])
        pltpu.sync_copy(x_hbm.at[sidx[0][0]], rows[0])
        pltpu.sync_copy(rows[0], acc.at[didx[0][0]], add=True)
        plsc.subcore_barrier()

        wdescs = []
        for t in range(RPT // CHUNK):
            r0 = s * RPT + t * CHUNK
            wdescs.append(
                pltpu.async_copy(acc.at[pl.ds(r0, CHUNK)],
                                 out_hbm.at[c, pl.ds(r0, CHUNK)],
                                 gsem[t % NSLOT]))
        for d in wdescs:
            d.wait()

    return agg_kernel(x, edge_index.reshape(2 * E))


def _mlp_kernel(x_ref, p_ref, w1_ref, b1_ref, g_ref, be_ref, w2_ref, b2_ref,
                o_ref):
    h = x_ref[...] + p_ref[0, :N, :] + p_ref[1, :N, :]
    z = lax.dot_general(h, w1_ref[...], (((1,), (1,)), ((), ())),
                        preferred_element_type=jnp.float32)
    z = jnp.maximum(z + b1_ref[...], 0.0)
    mean = jnp.mean(z, axis=0, keepdims=True)
    var = jnp.mean(z * z, axis=0, keepdims=True) - mean * mean
    scale = g_ref[...] * lax.rsqrt(var + 1e-5)
    zn = (z - mean) * scale + be_ref[...]
    o_ref[...] = lax.dot_general(zn, w2_ref[...], (((1,), (1,)), ((), ())),
                                 preferred_element_type=jnp.float32) + b2_ref[...]


def _mlp(x, parts, W1, b1, gamma, beta, W2, b2):
    return pl.pallas_call(
        _mlp_kernel,
        out_shape=jax.ShapeDtypeStruct((N, D), jnp.float32),
    )(x, parts, W1, b1.reshape(1, D), gamma.reshape(1, D),
      beta.reshape(1, D), W2, b2.reshape(1, D))


def kernel(x, edge_index, W1, b1, gamma, beta, W2, b2):
    parts = _sc_aggregate(x, edge_index)
    return _mlp(x, parts, W1, b1, gamma, beta, W2, b2)

# --- scband reference (transcript-rebuilt; emitter-appended) ---
"""Pipeline reference for scband-gin-36120674959489 (READ-ONLY COPY).

The authoritative reference and input builder live on the scoring server;
editing this copy changes nothing except your own understanding.
"""

import jax, jax.numpy as jnp
import numpy as np

N = 10000
E = 320000
D = 128
H = 128


def setup_inputs(seed: int = 0) -> dict:
    key = jax.random.key(seed)
    ks = jax.random.split(key, 8)
    x = jax.random.normal(ks[0], (N, D), dtype=jnp.float32)
    edge_index = jax.random.randint(ks[1], (2, E), 0, N, dtype=jnp.int32)
    # GINConv nn = Sequential(Linear(D,H), ReLU, BatchNorm1d(H), Linear(H,H))
    W1 = jax.random.normal(ks[2], (H, D), dtype=jnp.float32) * 0.05
    b1 = jnp.zeros((H,), dtype=jnp.float32)
    gamma = jnp.ones((H,), dtype=jnp.float32)
    beta = jnp.zeros((H,), dtype=jnp.float32)
    W2 = jax.random.normal(ks[3], (H, H), dtype=jnp.float32) * 0.05
    b2 = jnp.zeros((H,), dtype=jnp.float32)
    return {"x": x, "edge_index": edge_index, "W1": W1, "b1": b1,
            "gamma": gamma, "beta": beta, "W2": W2, "b2": b2}


def reference(x, edge_index, W1, b1, gamma, beta, W2, b2):
    # GINConv with eps=0 (default, train_eps=False):
    #   h = (1 + eps) * x + sum_{j in N(i)} x_j
    src = edge_index[0]
    dst = edge_index[1]
    msgs = jnp.take(x, src, axis=0)                       # gather
    agg = jax.ops.segment_sum(msgs, dst, num_segments=N)  # scatter-add
    h = x + agg
    # MLP: Linear -> ReLU -> BatchNorm1d (training-mode batch stats) -> Linear
    z = h @ W1.T + b1
    z = jax.nn.relu(z)
    mean = jnp.mean(z, axis=0)
    var = jnp.var(z, axis=0)  # biased variance, as PyTorch uses in training
    z = (z - mean) / jnp.sqrt(var + 1e-5) * gamma + beta
    out = z @ W2.T + b2
    return out

if __name__ == "__main__":
    import jax
    _d = setup_inputs()
    print(jax.jit(kernel)(*tuple(_d.values())))

</pallas_src>

<mosaic_0001>
#map = affine_map<(d0, d1) -> (0, 0)>
#map1 = affine_map<(d0, d1) -> (0)>
#map2 = affine_map<(d0, d1) -> (0, 0, 0)>
module attributes {stable_mosaic.version = 14 : i64} {
  func.func @agg_kernel(%arg0: i32, %arg1: i32, %arg2: memref<10000x128xf32, #tpu.memory_space<hbm>>, %arg3: memref<640000xi32, #tpu.memory_space<hbm>>, %arg4: memref<2x10240x128xf32, #tpu.memory_space<hbm>>, %arg5: memref<80xi32, #tpu.memory_space<vmem>>, %arg6: memref<80xi32, #tpu.memory_space<vmem>>, %arg7: memref<80xi32, #tpu.memory_space<vmem>>, %arg8: memref<80xi32, #tpu.memory_space<vmem>>, %arg9: memref<80xi32, #tpu.memory_space<vmem>>, %arg10: memref<80xi32, #tpu.memory_space<vmem>>, %arg11: memref<80xi32, #tpu.memory_space<vmem>>, %arg12: memref<80xi32, #tpu.memory_space<vmem>>, %arg13: memref<80xi32, #tpu.memory_space<vmem>>, %arg14: memref<80xi32, #tpu.memory_space<vmem>>, %arg15: memref<80xi32, #tpu.memory_space<vmem>>, %arg16: memref<80xi32, #tpu.memory_space<vmem>>, %arg17: memref<80xi32, #tpu.memory_space<vmem>>, %arg18: memref<80xi32, #tpu.memory_space<vmem>>, %arg19: memref<80xi32, #tpu.memory_space<vmem>>, %arg20: memref<80xi32, #tpu.memory_space<vmem>>, %arg21: memref<80x128xf32, #tpu.memory_space<vmem>>, %arg22: memref<80x128xf32, #tpu.memory_space<vmem>>, %arg23: memref<80x128xf32, #tpu.memory_space<vmem>>, %arg24: memref<80x128xf32, #tpu.memory_space<vmem>>, %arg25: memref<10240x128xf32, #tpu.memory_space<vmem_shared>>, %arg26: memref<!tpu.dma_semaphore, #tpu.memory_space<semaphore_mem>>, %arg27: memref<!tpu.dma_semaphore, #tpu.memory_space<semaphore_mem>>, %arg28: memref<!tpu.dma_semaphore, #tpu.memory_space<semaphore_mem>>, %arg29: memref<!tpu.dma_semaphore, #tpu.memory_space<semaphore_mem>>, %arg30: memref<!tpu.dma_semaphore, #tpu.memory_space<semaphore_mem>>, %arg31: memref<!tpu.dma_semaphore, #tpu.memory_space<semaphore_mem>>, %arg32: memref<!tpu.dma_semaphore, #tpu.memory_space<semaphore_mem>>, %arg33: memref<!tpu.dma_semaphore, #tpu.memory_space<semaphore_mem>>, %arg34: memref<!tpu.dma_semaphore, #tpu.memory_space<semaphore_mem>>, %arg35: memref<!tpu.dma_semaphore, #tpu.memory_space<semaphore_mem>>, %arg36: memref<!tpu.dma_semaphore, #tpu.memory_space<semaphore_mem>>, %arg37: memref<!tpu.dma_semaphore, #tpu.memory_space<semaphore_mem>>, %arg38: memref<!tpu.dma_semaphore, #tpu.memory_space<semaphore_mem>>, %arg39: memref<!tpu.dma_semaphore, #tpu.memory_space<semaphore_mem>>, %arg40: memref<!tpu.dma_semaphore, #tpu.memory_space<semaphore_mem>>, %arg41: memref<!tpu.dma_semaphore, #tpu.memory_space<semaphore_mem>>) attributes {dimension_semantics = [#tpu.dimension_semantics<core_parallel>, #tpu.dimension_semantics<subcore_parallel>], iteration_bounds = array<i64: 2, 16>, scalar_prefetch = 0 : i64, scratch_operands = 37 : i64, tpu.core_type = #tpu.core_type<sc_vector_subcore>, window_params = [{transform_indices = #map}, {transform_indices = #map1}, {transform_indices = #map2}]} {
    %mul3A = arith.constant 2 : i32
    %mul3A_0 = arith.muli %arg1, %mul3A : i32
    %add3A = arith.addi %mul3A_0, %arg0 : i32
    %mul3A_1 = arith.constant 10000 : i32
    %mul3A_2 = arith.muli %add3A, %mul3A_1 : i32
    %add3A_3 = arith.constant 0 : i32
    %add3A_4 = arith.addi %mul3A_2, %add3A_3 : i32
    %dma_start3A = tpu.memref_slice %arg3[%add3A_4] : memref<640000xi32, #tpu.memory_space<hbm>> -> memref<80xi32, #tpu.memory_space<hbm>>
    %dma_start3A_5 = tpu.memref_slice %arg3[%add3A_4] : memref<640000xi32, #tpu.memory_space<hbm>> -> memref<80xi32, #tpu.memory_space<hbm>>
    tpu.enqueue_dma source(%dma_start3A_5 : memref<80xi32, #tpu.memory_space<hbm>>) target(%arg5 : memref<80xi32, #tpu.memory_space<vmem>>) target_semaphore(%arg26 : memref<!tpu.dma_semaphore, #tpu.memory_space<semaphore_mem>>)
    %add3A_6 = arith.constant 320000 : i32
    %add3A_7 = arith.addi %add3A_6, %add3A_4 : i32
    %dma_start3A_8 = tpu.memref_slice %arg3[%add3A_7] : memref<640000xi32, #tpu.memory_space<hbm>> -> memref<80xi32, #tpu.memory_space<hbm>>
    %dma_start3A_9 = tpu.memref_slice %arg3[%add3A_7] : memref<640000xi32, #tpu.memory_space<hbm>> -> memref<80xi32, #tpu.memory_space<hbm>>
    tpu.enqueue_dma source(%dma_start3A_9 : memref<80xi32, #tpu.memory_space<hbm>>) target(%arg13 : memref<80xi32, #tpu.memory_space<vmem>>) target_semaphore(%arg26 : memref<!tpu.dma_semaphore, #tpu.memory_space<semaphore_mem>>)
    %add3A_10 = arith.constant 80 : i32
    %add3A_11 = arith.addi %mul3A_2, %add3A_10 : i32
    %dma_start3A_12 = tpu.memref_slice %arg3[%add3A_11] : memref<640000xi32, #tpu.memory_space<hbm>> -> memref<80xi32, #tpu.memory_space<hbm>>
    %dma_start3A_13 = tpu.memref_slice %arg3[%add3A_11] : memref<640000xi32, #tpu.memory_space<hbm>> -> memref<80xi32, #tpu.memory_space<hbm>>
    tpu.enqueue_dma source(%dma_start3A_13 : memref<80xi32, #tpu.memory_space<hbm>>) target(%arg6 : memref<80xi32, #tpu.memory_space<vmem>>) target_semaphore(%arg27 : memref<!tpu.dma_semaphore, #tpu.memory_space<semaphore_mem>>)
    %add3A_14 = arith.constant 320000 : i32
    %add3A_15 = arith.addi %add3A_14, %add3A_11 : i32
    %dma_start3A_16 = tpu.memref_slice %arg3[%add3A_15] : memref<640000xi32, #tpu.memory_space<hbm>> -> memref<80xi32, #tpu.memory_space<hbm>>
    %dma_start3A_17 = tpu.memref_slice %arg3[%add3A_15] : memref<640000xi32, #tpu.memory_space<hbm>> -> memref<80xi32, #tpu.memory_space<hbm>>
    tpu.enqueue_dma source(%dma_start3A_17 : memref<80xi32, #tpu.memory_space<hbm>>) target(%arg14 : memref<80xi32, #tpu.memory_space<vmem>>) target_semaphore(%arg27 : memref<!tpu.dma_semaphore, #tpu.memory_space<semaphore_mem>>)
    %add3A_18 = arith.constant 160 : i32
    %add3A_19 = arith.addi %mul3A_2, %add3A_18 : i32
    %dma_start3A_20 = tpu.memref_slice %arg3[%add3A_19] : memref<640000xi32, #tpu.memory_space<hbm>> -> memref<80xi32, #tpu.memory_space<hbm>>
    %dma_start3A_21 = tpu.memref_slice %arg3[%add3A_19] : memref<640000xi32, #tpu.memory_space<hbm>> -> memref<80xi32, #tpu.memory_space<hbm>>
    tpu.enqueue_dma source(%dma_start3A_21 : memref<80xi32, #tpu.memory_space<hbm>>) target(%arg7 : memref<80xi32, #tpu.memory_space<vmem>>) target_semaphore(%arg28 : memref<!tpu.dma_semaphore, #tpu.memory_space<semaphore_mem>>)
    %add3A_22 = arith.constant 320000 : i32
    %add3A_23 = arith.addi %add3A_22, %add3A_19 : i32
    %dma_start3A_24 = tpu.memref_slice %arg3[%add3A_23] : memref<640000xi32, #tpu.memory_space<hbm>> -> memref<80xi32, #tpu.memory_space<hbm>>
    %dma_start3A_25 = tpu.memref_slice %arg3[%add3A_23] : memref<640000xi32, #tpu.memory_space<hbm>> -> memref<80xi32, #tpu.memory_space<hbm>>
    tpu.enqueue_dma source(%dma_start3A_25 : memref<80xi32, #tpu.memory_space<hbm>>) target(%arg15 : memref<80xi32, #tpu.memory_space<vmem>>) target_semaphore(%arg28 : memref<!tpu.dma_semaphore, #tpu.memory_space<semaphore_mem>>)
    %add3A_26 = arith.constant 240 : i32
    %add3A_27 = arith.addi %mul3A_2, %add3A_26 : i32
    %dma_start3A_28 = tpu.memref_slice %arg3[%add3A_27] : memref<640000xi32, #tpu.memory_space<hbm>> -> memref<80xi32, #tpu.memory_space<hbm>>
    %dma_start3A_29 = tpu.memref_slice %arg3[%add3A_27] : memref<640000xi32, #tpu.memory_space<hbm>> -> memref<80xi32, #tpu.memory_space<hbm>>
    tpu.enqueue_dma source(%dma_start3A_29 : memref<80xi32, #tpu.memory_space<hbm>>) target(%arg8 : memref<80xi32, #tpu.memory_space<vmem>>) target_semaphore(%arg29 : memref<!tpu.dma_semaphore, #tpu.memory_space<semaphore_mem>>)
    %add3A_30 = arith.constant 320000 : i32
    %add3A_31 = arith.addi %add3A_30, %add3A_27 : i32
    %dma_start3A_32 = tpu.memref_slice %arg3[%add3A_31] : memref<640000xi32, #tpu.memory_space<hbm>> -> memref<80xi32, #tpu.memory_space<hbm>>
    %dma_start3A_33 = tpu.memref_slice %arg3[%add3A_31] : memref<640000xi32, #tpu.memory_space<hbm>> -> memref<80xi32, #tpu.memory_space<hbm>>
    tpu.enqueue_dma source(%dma_start3A_33 : memref<80xi32, #tpu.memory_space<hbm>>) target(%arg16 : memref<80xi32, #tpu.memory_space<vmem>>) target_semaphore(%arg29 : memref<!tpu.dma_semaphore, #tpu.memory_space<semaphore_mem>>)
    %scan3A = arith.constant 0 : i32
    %scan3A_34 = arith.constant 0 : i32
    %scan3A_35 = arith.constant 80 : i32
    %scan3A_36 = arith.addi %scan3A_34, %scan3A_35 : i32
    %scan3A_37 = arith.constant 1 : i32
    scf.for %scan3A_285 = %scan3A_34 to %scan3A_36 step %scan3A_37  : i32 {
      %broadcast_in_dim3A = arith.constant 0.000000e+00 : f32
      %broadcast_in_dim3A_286 = vector.broadcast %broadcast_in_dim3A : f32 to vector<16xf32>
      %swap3A = arith.index_cast %scan3A_285 : i32 to index
      %swap3A_287 = arith.constant 0 : index
      %swap3A_288 = tpu.vector_load %arg21[%swap3A, %swap3A_287] {strides = array<i32>} : memref<80x128xf32, #tpu.memory_space<vmem>>, vector<1x16xf32>,
      %swap3A_289 = vector.shape_cast %swap3A_288 : vector<1x16xf32> to vector<16xf32>
      %swap3A_290 = vector.shape_cast %broadcast_in_dim3A_286 : vector<16xf32> to vector<1x16xf32>
      tpu.vector_store %arg21[%swap3A, %swap3A_287], %swap3A_290 {strides = array<i32>} : memref<80x128xf32, #tpu.memory_space<vmem>>, vector<1x16xf32>,
      %broadcast_in_dim3A_291 = arith.constant 0.000000e+00 : f32
      %broadcast_in_dim3A_292 = vector.broadcast %broadcast_in_dim3A_291 : f32 to vector<16xf32>
      %swap3A_293 = arith.index_cast %scan3A_285 : i32 to index
      %swap3A_294 = arith.constant 16 : index
      %swap3A_295 = tpu.vector_load %arg21[%swap3A_293, %swap3A_294] {strides = array<i32>} : memref<80x128xf32, #tpu.memory_space<vmem>>, vector<1x16xf32>,
      %swap3A_296 = vector.shape_cast %swap3A_295 : vector<1x16xf32> to vector<16xf32>
      %swap3A_297 = vector.shape_cast %broadcast_in_dim3A_292 : vector<16xf32> to vector<1x16xf32>
      tpu.vector_store %arg21[%swap3A_293, %swap3A_294], %swap3A_297 {strides = array<i32>} : memref<80x128xf32, #tpu.memory_space<vmem>>, vector<1x16xf32>,
      %broadcast_in_dim3A_298 = arith.constant 0.000000e+00 : f32
      %broadcast_in_dim3A_299 = vector.broadcast %broadcast_in_dim3A_298 : f32 to vector<16xf32>
      %swap3A_300 = arith.index_cast %scan3A_285 : i32 to index
      %swap3A_301 = arith.constant 32 : index
      %swap3A_302 = tpu.vector_load %arg21[%swap3A_300, %swap3A_301] {strides = array<i32>} : memref<80x128xf32, #tpu.memory_space<vmem>>, vector<1x16xf32>,
      %swap3A_303 = vector.shape_cast %swap3A_302 : vector<1x16xf32> to vector<16xf32>
      %swap3A_304 = vector.shape_cast %broadcast_in_dim3A_299 : vector<16xf32> to vector<1x16xf32>
      tpu.vector_store %arg21[%swap3A_300, %swap3A_301], %swap3A_304 {strides = array<i32>} : memref<80x128xf32, #tpu.memory_space<vmem>>, vector<1x16xf32>,
      %broadcast_in_dim3A_305 = arith.constant 0.000000e+00 : f32
      %broadcast_in_dim3A_306 = vector.broadcast %broadcast_in_dim3A_305 : f32 to vector<16xf32>
      %swap3A_307 = arith.index_cast %scan3A_285 : i32 to index
      %swap3A_308 = arith.constant 48 : index
      %swap3A_309 = tpu.vector_load %arg21[%swap3A_307, %swap3A_308] {strides = array<i32>} : memref<80x128xf32, #tpu.memory_space<vmem>>, vector<1x16xf32>,
      %swap3A_310 = vector.shape_cast %swap3A_309 : vector<1x16xf32> to vector<16xf32>
      %swap3A_311 = vector.shape_cast %broadcast_in_dim3A_306 : vector<16xf32> to vector<1x16xf32>
      tpu.vector_store %arg21[%swap3A_307, %swap3A_308], %swap3A_311 {strides = array<i32>} : memref<80x128xf32, #tpu.memory_space<vmem>>, vector<1x16xf32>,
      %broadcast_in_dim3A_312 = arith.constant 0.000000e+00 : f32
      %broadcast_in_dim3A_313 = vector.broadcast %broadcast_in_dim3A_312 : f32 to vector<16xf32>
      %swap3A_314 = arith.index_cast %scan3A_285 : i32 to index
      %swap3A_315 = arith.constant 64 : index
      %swap3A_316 = tpu.vector_load %arg21[%swap3A_314, %swap3A_315] {strides = array<i32>} : memref<80x128xf32, #tpu.memory_space<vmem>>, vector<1x16xf32>,
      %swap3A_317 = vector.shape_cast %swap3A_316 : vector<1x16xf32> to vector<16xf32>
      %swap3A_318 = vector.shape_cast %broadcast_in_dim3A_313 : vector<16xf32> to vector<1x16xf32>
      tpu.vector_store %arg21[%swap3A_314, %swap3A_315], %swap3A_318 {strides = array<i32>} : memref<80x128xf32, #tpu.memory_space<vmem>>, vector<1x16xf32>,
      %broadcast_in_dim3A_319 = arith.constant 0.000000e+00 : f32
      %broadcast_in_dim3A_320 = vector.broadcast %broadcast_in_dim3A_319 : f32 to vector<16xf32>
      %swap3A_321 = arith.index_cast %scan3A_285 : i32 to index
      %swap3A_322 = arith.constant 80 : index
      %swap3A_323 = tpu.vector_load %arg21[%swap3A_321, %swap3A_322] {strides = array<i32>} : memref<80x128xf32, #tpu.memory_space<vmem>>, vector<1x16xf32>,
      %swap3A_324 = vector.shape_cast %swap3A_323 : vector<1x16xf32> to vector<16xf32>
      %swap3A_325 = vector.shape_cast %broadcast_in_dim3A_320 : vector<16xf32> to vector<1x16xf32>
      tpu.vector_store %arg21[%swap3A_321, %swap3A_322], %swap3A_325 {strides = array<i32>} : memref<80x128xf32, #tpu.memory_space<vmem>>, vector<1x16xf32>,
      %broadcast_in_dim3A_326 = arith.constant 0.000000e+00 : f32
      %broadcast_in_dim3A_327 = vector.broadcast %broadcast_in_dim3A_326 : f32 to vector<16xf32>
      %swap3A_328 = arith.index_cast %scan3A_285 : i32 to index
      %swap3A_329 = arith.constant 96 : index
      %swap3A_330 = tpu.vector_load %arg21[%swap3A_328, %swap3A_329] {strides = array<i32>} : memref<80x128xf32, #tpu.memory_space<vmem>>, vector<1x16xf32>,
      %swap3A_331 = vector.shape_cast %swap3A_330 : vector<1x16xf32> to vector<16xf32>
      %swap3A_332 = vector.shape_cast %broadcast_in_dim3A_327 : vector<16xf32> to vector<1x16xf32>
      tpu.vector_store %arg21[%swap3A_328, %swap3A_329], %swap3A_332 {strides = array<i32>} : memref<80x128xf32, #tpu.memory_space<vmem>>, vector<1x16xf32>,
      %broadcast_in_dim3A_333 = arith.constant 0.000000e+00 : f32
      %broadcast_in_dim3A_334 = vector.broadcast %broadcast_in_dim3A_333 : f32 to vector<16xf32>
      %swap3A_335 = arith.index_cast %scan3A_285 : i32 to index
      %swap3A_336 = arith.constant 112 : index
      %swap3A_337 = tpu.vector_load %arg21[%swap3A_335, %swap3A_336] {strides = array<i32>} : memref<80x128xf32, #tpu.memory_space<vmem>>, vector<1x16xf32>,
      %swap3A_338 = vector.shape_cast %swap3A_337 : vector<1x16xf32> to vector<16xf32>
      %swap3A_339 = vector.shape_cast %broadcast_in_dim3A_334 : vector<16xf32> to vector<1x16xf32>
      tpu.vector_store %arg21[%swap3A_335, %swap3A_336], %swap3A_339 {strides = array<i32>} : memref<80x128xf32, #tpu.memory_space<vmem>>, vector<1x16xf32>,
    }
    %scan3A_38 = arith.constant 80 : i32
    %mul3A_39 = arith.constant 640 : i32
    %mul3A_40 = arith.muli %arg1, %mul3A_39 : i32
    %add3A_41 = arith.constant 0 : i32
    %add3A_42 = arith.addi %mul3A_40, %add3A_41 : i32
    "tpu.region"() ({
      %run_scoped3A = tpu.sem_alloc : memref<!tpu.dma_semaphore, #tpu.memory_space<semaphore_mem>>
      %dma_start3A_285 = arith.constant 0 : i32
      %dma_start3A_286 = tpu.memref_slice %arg25[%add3A_42, %dma_start3A_285] : memref<10240x128xf32, #tpu.memory_space<vmem_shared>> -> memref<80x128xf32, #tpu.memory_space<vmem_shared>>
      %dma_start3A_287 = arith.constant 0 : i32
      %dma_start3A_288 = tpu.memref_slice %arg25[%add3A_42, %dma_start3A_287] : memref<10240x128xf32, #tpu.memory_space<vmem_shared>> -> memref<80x128xf32, #tpu.memory_space<vmem_shared>>
      tpu.enqueue_dma source(%arg21 : memref<80x128xf32, #tpu.memory_space<vmem>>) target(%dma_start3A_288 : memref<80x128xf32, #tpu.memory_space<vmem_shared>>) target_semaphore(%run_scoped3A : memref<!tpu.dma_semaphore, #tpu.memory_space<semaphore_mem>>)
      %dma_wait3A_289 = arith.constant 0 : i32
      %dma_wait3A_290 = tpu.memref_slice %arg25[%add3A_42, %dma_wait3A_289] : memref<10240x128xf32, #tpu.memory_space<vmem_shared>> -> memref<80x128xf32, #tpu.memory_space<vmem_shared>>
      %dma_wait3A_291 = arith.constant 0 : i32
      %dma_wait3A_292 = tpu.memref_slice %arg25[%add3A_42, %dma_wait3A_291] : memref<10240x128xf32, #tpu.memory_space<vmem_shared>> -> memref<80x128xf32, #tpu.memory_space<vmem_shared>>
      tpu.wait_dma2 semaphore(%run_scoped3A : memref<!tpu.dma_semaphore, #tpu.memory_space<semaphore_mem>>) src(%arg21 : memref<80x128xf32, #tpu.memory_space<vmem>>) dst(%dma_wait3A_292 : memref<80x128xf32, #tpu.memory_space<vmem_shared>>)
      tpu.yield
    }) : () -> ()
    %mul3A_43 = arith.constant 640 : i32
    %mul3A_44 = arith.muli %arg1, %mul3A_43 : i32
    %add3A_45 = arith.constant 80 : i32
    %add3A_46 = arith.addi %mul3A_44, %add3A_45 : i32
    "tpu.region"() ({
      %run_scoped3A = tpu.sem_alloc : memref<!tpu.dma_semaphore, #tpu.memory_space<semaphore_mem>>
      %dma_start3A_285 = arith.constant 0 : i32
      %dma_start3A_286 = tpu.memref_slice %arg25[%add3A_46, %dma_start3A_285] : memref<10240x128xf32, #tpu.memory_space<vmem_shared>> -> memref<80x128xf32, #tpu.memory_space<vmem_shared>>
      %dma_start3A_287 = arith.constant 0 : i32
      %dma_start3A_288 = tpu.memref_slice %arg25[%add3A_46, %dma_start3A_287] : memref<10240x128xf32, #tpu.memory_space<vmem_shared>> -> memref<80x128xf32, #tpu.memory_space<vmem_shared>>
      tpu.enqueue_dma source(%arg21 : memref<80x128xf32, #tpu.memory_space<vmem>>) target(%dma_start3A_288 : memref<80x128xf32, #tpu.memory_space<vmem_shared>>) target_semaphore(%run_scoped3A : memref<!tpu.dma_semaphore, #tpu.memory_space<semaphore_mem>>)
      %dma_wait3A_289 = arith.constant 0 : i32
      %dma_wait3A_290 = tpu.memref_slice %arg25[%add3A_46, %dma_wait3A_289] : memref<10240x128xf32, #tpu.memory_space<vmem_shared>> -> memref<80x128xf32, #tpu.memory_space<vmem_shared>>
      %dma_wait3A_291 = arith.constant 0 : i32
      %dma_wait3A_292 = tpu.memref_slice %arg25[%add3A_46, %dma_wait3A_291] : memref<10240x128xf32, #tpu.memory_space<vmem_shared>> -> memref<80x128xf32, #tpu.memory_space<vmem_shared>>
      tpu.wait_dma2 semaphore(%run_scoped3A : memref<!tpu.dma_semaphore, #tpu.memory_space<semaphore_mem>>) src(%arg21 : memref<80x128xf32, #tpu.memory_space<vmem>>) dst(%dma_wait3A_292 : memref<80x128xf32, #tpu.memory_space<vmem_shared>>)
      tpu.yield
    }) : () -> ()
    %mul3A_47 = arith.constant 640 : i32
    %mul3A_48 = arith.muli %arg1, %mul3A_47 : i32
    %add3A_49 = arith.constant 160 : i32
    %add3A_50 = arith.addi %mul3A_48, %add3A_49 : i32
    "tpu.region"() ({
      %run_scoped3A = tpu.sem_alloc : memref<!tpu.dma_semaphore, #tpu.memory_space<semaphore_mem>>
      %dma_start3A_285 = arith.constant 0 : i32
      %dma_start3A_286 = tpu.memref_slice %arg25[%add3A_50, %dma_start3A_285] : memref<10240x128xf32, #tpu.memory_space<vmem_shared>> -> memref<80x128xf32, #tpu.memory_space<vmem_shared>>
      %dma_start3A_287 = arith.constant 0 : i32
      %dma_start3A_288 = tpu.memref_slice %arg25[%add3A_50, %dma_start3A_287] : memref<10240x128xf32, #tpu.memory_space<vmem_shared>> -> memref<80x128xf32, #tpu.memory_space<vmem_shared>>
      tpu.enqueue_dma source(%arg21 : memref<80x128xf32, #tpu.memory_space<vmem>>) target(%dma_start3A_288 : memref<80x128xf32, #tpu.memory_space<vmem_shared>>) target_semaphore(%run_scoped3A : memref<!tpu.dma_semaphore, #tpu.memory_space<semaphore_mem>>)
      %dma_wait3A_289 = arith.constant 0 : i32
      %dma_wait3A_290 = tpu.memref_slice %arg25[%add3A_50, %dma_wait3A_289] : memref<10240x128xf32, #tpu.memory_space<vmem_shared>> -> memref<80x128xf32, #tpu.memory_space<vmem_shared>>
      %dma_wait3A_291 = arith.constant 0 : i32
      %dma_wait3A_292 = tpu.memref_slice %arg25[%add3A_50, %dma_wait3A_291] : memref<10240x128xf32, #tpu.memory_space<vmem_shared>> -> memref<80x128xf32, #tpu.memory_space<vmem_shared>>
      tpu.wait_dma2 semaphore(%run_scoped3A : memref<!tpu.dma_semaphore, #tpu.memory_space<semaphore_mem>>) src(%arg21 : memref<80x128xf32, #tpu.memory_space<vmem>>) dst(%dma_wait3A_292 : memref<80x128xf32, #tpu.memory_space<vmem_shared>>)
      tpu.yield
    }) : () -> ()
    %mul3A_51 = arith.constant 640 : i32
    %mul3A_52 = arith.muli %arg1, %mul3A_51 : i32
    %add3A_53 = arith.constant 240 : i32
    %add3A_54 = arith.addi %mul3A_52, %add3A_53 : i32
    "tpu.region"() ({
      %run_scoped3A = tpu.sem_alloc : memref<!tpu.dma_semaphore, #tpu.memory_space<semaphore_mem>>
      %dma_start3A_285 = arith.constant 0 : i32
      %dma_start3A_286 = tpu.memref_slice %arg25[%add3A_54, %dma_start3A_285] : memref<10240x128xf32, #tpu.memory_space<vmem_shared>> -> memref<80x128xf32, #tpu.memory_space<vmem_shared>>
      %dma_start3A_287 = arith.constant 0 : i32
      %dma_start3A_288 = tpu.memref_slice %arg25[%add3A_54, %dma_start3A_287] : memref<10240x128xf32, #tpu.memory_space<vmem_shared>> -> memref<80x128xf32, #tpu.memory_space<vmem_shared>>
      tpu.enqueue_dma source(%arg21 : memref<80x128xf32, #tpu.memory_space<vmem>>) target(%dma_start3A_288 : memref<80x128xf32, #tpu.memory_space<vmem_shared>>) target_semaphore(%run_scoped3A : memref<!tpu.dma_semaphore, #tpu.memory_space<semaphore_mem>>)
      %dma_wait3A_289 = arith.constant 0 : i32
      %dma_wait3A_290 = tpu.memref_slice %arg25[%add3A_54, %dma_wait3A_289] : memref<10240x128xf32, #tpu.memory_space<vmem_shared>> -> memref<80x128xf32, #tpu.memory_space<vmem_shared>>
      %dma_wait3A_291 = arith.constant 0 : i32
      %dma_wait3A_292 = tpu.memref_slice %arg25[%add3A_54, %dma_wait3A_291] : memref<10240x128xf32, #tpu.memory_space<vmem_shared>> -> memref<80x128xf32, #tpu.memory_space<vmem_shared>>
      tpu.wait_dma2 semaphore(%run_scoped3A : memref<!tpu.dma_semaphore, #tpu.memory_space<semaphore_mem>>) src(%arg21 : memref<80x128xf32, #tpu.memory_space<vmem>>) dst(%dma_wait3A_292 : memref<80x128xf32, #tpu.memory_space<vmem_shared>>)
      tpu.yield
    }) : () -> ()
    %mul3A_55 = arith.constant 640 : i32
    %mul3A_56 = arith.muli %arg1, %mul3A_55 : i32
    %add3A_57 = arith.constant 320 : i32
    %add3A_58 = arith.addi %mul3A_56, %add3A_57 : i32
    "tpu.region"() ({
      %run_scoped3A = tpu.sem_alloc : memref<!tpu.dma_semaphore, #tpu.memory_space<semaphore_mem>>
      %dma_start3A_285 = arith.constant 0 : i32
      %dma_start3A_286 = tpu.memref_slice %arg25[%add3A_58, %dma_start3A_285] : memref<10240x128xf32, #tpu.memory_space<vmem_shared>> -> memref<80x128xf32, #tpu.memory_space<vmem_shared>>
      %dma_start3A_287 = arith.constant 0 : i32
      %dma_start3A_288 = tpu.memref_slice %arg25[%add3A_58, %dma_start3A_287] : memref<10240x128xf32, #tpu.memory_space<vmem_shared>> -> memref<80x128xf32, #tpu.memory_space<vmem_shared>>
      tpu.enqueue_dma source(%arg21 : memref<80x128xf32, #tpu.memory_space<vmem>>) target(%dma_start3A_288 : memref<80x128xf32, #tpu.memory_space<vmem_shared>>) target_semaphore(%run_scoped3A : memref<!tpu.dma_semaphore, #tpu.memory_space<semaphore_mem>>)
      %dma_wait3A_289 = arith.constant 0 : i32
      %dma_wait3A_290 = tpu.memref_slice %arg25[%add3A_58, %dma_wait3A_289] : memref<10240x128xf32, #tpu.memory_space<vmem_shared>> -> memref<80x128xf32, #tpu.memory_space<vmem_shared>>
      %dma_wait3A_291 = arith.constant 0 : i32
      %dma_wait3A_292 = tpu.memref_slice %arg25[%add3A_58, %dma_wait3A_291] : memref<10240x128xf32, #tpu.memory_space<vmem_shared>> -> memref<80x128xf32, #tpu.memory_space<vmem_shared>>
      tpu.wait_dma2 semaphore(%run_scoped3A : memref<!tpu.dma_semaphore, #tpu.memory_space<semaphore_mem>>) src(%arg21 : memref<80x128xf32, #tpu.memory_space<vmem>>) dst(%dma_wait3A_292 : memref<80x128xf32, #tpu.memory_space<vmem_shared>>)
      tpu.yield
    }) : () -> ()
    %mul3A_59 = arith.constant 640 : i32
    %mul3A_60 = arith.muli %arg1, %mul3A_59 : i32
    %add3A_61 = arith.constant 400 : i32
    %add3A_62 = arith.addi %mul3A_60, %add3A_61 : i32
    "tpu.region"() ({
      %run_scoped3A = tpu.sem_alloc : memref<!tpu.dma_semaphore, #tpu.memory_space<semaphore_mem>>
      %dma_start3A_285 = arith.constant 0 : i32
      %dma_start3A_286 = tpu.memref_slice %arg25[%add3A_62, %dma_start3A_285] : memref<10240x128xf32, #tpu.memory_space<vmem_shared>> -> memref<80x128xf32, #tpu.memory_space<vmem_shared>>
      %dma_start3A_287 = arith.constant 0 : i32
      %dma_start3A_288 = tpu.memref_slice %arg25[%add3A_62, %dma_start3A_287] : memref<10240x128xf32, #tpu.memory_space<vmem_shared>> -> memref<80x128xf32, #tpu.memory_space<vmem_shared>>
      tpu.enqueue_dma source(%arg21 : memref<80x128xf32, #tpu.memory_space<vmem>>) target(%dma_start3A_288 : memref<80x128xf32, #tpu.memory_space<vmem_shared>>) target_semaphore(%run_scoped3A : memref<!tpu.dma_semaphore, #tpu.memory_space<semaphore_mem>>)
      %dma_wait3A_289 = arith.constant 0 : i32
      %dma_wait3A_290 = tpu.memref_slice %arg25[%add3A_62, %dma_wait3A_289] : memref<10240x128xf32, #tpu.memory_space<vmem_shared>> -> memref<80x128xf32, #tpu.memory_space<vmem_shared>>
      %dma_wait3A_291 = arith.constant 0 : i32
      %dma_wait3A_292 = tpu.memref_slice %arg25[%add3A_62, %dma_wait3A_291] : memref<10240x128xf32, #tpu.memory_space<vmem_shared>> -> memref<80x128xf32, #tpu.memory_space<vmem_shared>>
      tpu.wait_dma2 semaphore(%run_scoped3A : memref<!tpu.dma_semaphore, #tpu.memory_space<semaphore_mem>>) src(%arg21 : memref<80x128xf32, #tpu.memory_space<vmem>>) dst(%dma_wait3A_292 : memref<80x128xf32, #tpu.memory_space<vmem_shared>>)
      tpu.yield
    }) : () -> ()
    %mul3A_63 = arith.constant 640 : i32
    %mul3A_64 = arith.muli %arg1, %mul3A_63 : i32
    %add3A_65 = arith.constant 480 : i32
    %add3A_66 = arith.addi %mul3A_64, %add3A_65 : i32
    "tpu.region"() ({
      %run_scoped3A = tpu.sem_alloc : memref<!tpu.dma_semaphore, #tpu.memory_space<semaphore_mem>>
      %dma_start3A_285 = arith.constant 0 : i32
      %dma_start3A_286 = tpu.memref_slice %arg25[%add3A_66, %dma_start3A_285] : memref<10240x128xf32, #tpu.memory_space<vmem_shared>> -> memref<80x128xf32, #tpu.memory_space<vmem_shared>>
      %dma_start3A_287 = arith.constant 0 : i32
      %dma_start3A_288 = tpu.memref_slice %arg25[%add3A_66, %dma_start3A_287] : memref<10240x128xf32, #tpu.memory_space<vmem_shared>> -> memref<80x128xf32, #tpu.memory_space<vmem_shared>>
      tpu.enqueue_dma source(%arg21 : memref<80x128xf32, #tpu.memory_space<vmem>>) target(%dma_start3A_288 : memref<80x128xf32, #tpu.memory_space<vmem_shared>>) target_semaphore(%run_scoped3A : memref<!tpu.dma_semaphore, #tpu.memory_space<semaphore_mem>>)
      %dma_wait3A_289 = arith.constant 0 : i32
      %dma_wait3A_290 = tpu.memref_slice %arg25[%add3A_66, %dma_wait3A_289] : memref<10240x128xf32, #tpu.memory_space<vmem_shared>> -> memref<80x128xf32, #tpu.memory_space<vmem_shared>>
      %dma_wait3A_291 = arith.constant 0 : i32
      %dma_wait3A_292 = tpu.memref_slice %arg25[%add3A_66, %dma_wait3A_291] : memref<10240x128xf32, #tpu.memory_space<vmem_shared>> -> memref<80x128xf32, #tpu.memory_space<vmem_shared>>
      tpu.wait_dma2 semaphore(%run_scoped3A : memref<!tpu.dma_semaphore, #tpu.memory_space<semaphore_mem>>) src(%arg21 : memref<80x128xf32, #tpu.memory_space<vmem>>) dst(%dma_wait3A_292 : memref<80x128xf32, #tpu.memory_space<vmem_shared>>)
      tpu.yield
    }) : () -> ()
    %mul3A_67 = arith.constant 640 : i32
    %mul3A_68 = arith.muli %arg1, %mul3A_67 : i32
    %add3A_69 = arith.constant 560 : i32
    %add3A_70 = arith.addi %mul3A_68, %add3A_69 : i32
    "tpu.region"() ({
      %run_scoped3A = tpu.sem_alloc : memref<!tpu.dma_semaphore, #tpu.memory_space<semaphore_mem>>
      %dma_start3A_285 = arith.constant 0 : i32
      %dma_start3A_286 = tpu.memref_slice %arg25[%add3A_70, %dma_start3A_285] : memref<10240x128xf32, #tpu.memory_space<vmem_shared>> -> memref<80x128xf32, #tpu.memory_space<vmem_shared>>
      %dma_start3A_287 = arith.constant 0 : i32
      %dma_start3A_288 = tpu.memref_slice %arg25[%add3A_70, %dma_start3A_287] : memref<10240x128xf32, #tpu.memory_space<vmem_shared>> -> memref<80x128xf32, #tpu.memory_space<vmem_shared>>
      tpu.enqueue_dma source(%arg21 : memref<80x128xf32, #tpu.memory_space<vmem>>) target(%dma_start3A_288 : memref<80x128xf32, #tpu.memory_space<vmem_shared>>) target_semaphore(%run_scoped3A : memref<!tpu.dma_semaphore, #tpu.memory_space<semaphore_mem>>)
      %dma_wait3A_289 = arith.constant 0 : i32
      %dma_wait3A_290 = tpu.memref_slice %arg25[%add3A_70, %dma_wait3A_289] : memref<10240x128xf32, #tpu.memory_space<vmem_shared>> -> memref<80x128xf32, #tpu.memory_space<vmem_shared>>
      %dma_wait3A_291 = arith.constant 0 : i32
      %dma_wait3A_292 = tpu.memref_slice %arg25[%add3A_70, %dma_wait3A_291] : memref<10240x128xf32, #tpu.memory_space<vmem_shared>> -> memref<80x128xf32, #tpu.memory_space<vmem_shared>>
      tpu.wait_dma2 semaphore(%run_scoped3A : memref<!tpu.dma_semaphore, #tpu.memory_space<semaphore_mem>>) src(%arg21 : memref<80x128xf32, #tpu.memory_space<vmem>>) dst(%dma_wait3A_292 : memref<80x128xf32, #tpu.memory_space<vmem_shared>>)
      tpu.yield
    }) : () -> ()
    %barrier3A = arith.constant 0 : index
    tpu.barrier barrier_id(%barrier3A)
    %scan3A_71 = arith.constant 0 : i32
    %scan3A_72 = arith.constant 0 : i32
    %scan3A_73 = arith.constant 15 : i32
    %scan3A_74 = arith.addi %scan3A_72, %scan3A_73 : i32
    %scan3A_75 = arith.constant 1 : i32
    scf.for %scan3A_285 = %scan3A_72 to %scan3A_74 step %scan3A_75  : i32 {
      %mul3A_286 = arith.constant 2 : i32
      %mul3A_287 = arith.muli %mul3A_286, %scan3A_285 : i32
      %gt3A = arith.constant 0 : i32
      %gt3A_288 = arith.cmpi sgt, %mul3A_287, %gt3A : i32
      %convert_element_type3A = arith.extui %gt3A_288 : i1 to i32
      %cond3A = arith.constant 0 : i32
      %cond3A_289 = arith.cmpi ne, %convert_element_type3A, %cond3A : i32
      scf.if %cond3A_289 {
        %dma_wait3A_600 = arith.constant 0 : i32
        %dma_wait3A_601 = arith.constant 0 : i32
        %dma_wait3A_602 = tpu.memref_slice %arg25[%dma_wait3A_600, %dma_wait3A_601] : memref<10240x128xf32, #tpu.memory_space<vmem_shared>> -> memref<10240x128xf32, #tpu.memory_space<vmem_shared>>
        tpu.wait_indirect_dma semaphore(%arg38 : memref<!tpu.dma_semaphore, #tpu.memory_space<semaphore_mem>>) src(%arg21 : memref<80x128xf32, #tpu.memory_space<vmem>>) dst(%dma_wait3A_602 : memref<10240x128xf32, #tpu.memory_space<vmem_shared>>)
        %dma_wait3A_603 = arith.constant 0 : i32
        %dma_wait3A_604 = arith.constant 0 : i32
        %dma_wait3A_605 = tpu.memref_slice %arg25[%dma_wait3A_603, %dma_wait3A_604] : memref<10240x128xf32, #tpu.memory_space<vmem_shared>> -> memref<10240x128xf32, #tpu.memory_space<vmem_shared>>
        tpu.wait_indirect_dma semaphore(%arg39 : memref<!tpu.dma_semaphore, #tpu.memory_space<semaphore_mem>>) src(%arg22 : memref<80x128xf32, #tpu.memory_space<vmem>>) dst(%dma_wait3A_605 : memref<10240x128xf32, #tpu.memory_space<vmem_shared>>)
        %dma_wait3A_606 = arith.constant 0 : i32
        %dma_wait3A_607 = arith.constant 0 : i32
        %dma_wait3A_608 = tpu.memref_slice %arg25[%dma_wait3A_606, %dma_wait3A_607] : memref<10240x128xf32, #tpu.memory_space<vmem_shared>> -> memref<10240x128xf32, #tpu.memory_space<vmem_shared>>
        tpu.wait_indirect_dma semaphore(%arg40 : memref<!tpu.dma_semaphore, #tpu.memory_space<semaphore_mem>>) src(%arg23 : memref<80x128xf32, #tpu.memory_space<vmem>>) dst(%dma_wait3A_608 : memref<10240x128xf32, #tpu.memory_space<vmem_shared>>)
        %dma_wait3A_609 = arith.constant 0 : i32
        %dma_wait3A_610 = arith.constant 0 : i32
        %dma_wait3A_611 = tpu.memref_slice %arg25[%dma_wait3A_609, %dma_wait3A_610] : memref<10240x128xf32, #tpu.memory_space<vmem_shared>> -> memref<10240x128xf32, #tpu.memory_space<vmem_shared>>
        tpu.wait_indirect_dma semaphore(%arg41 : memref<!tpu.dma_semaphore, #tpu.memory_space<semaphore_mem>>) src(%arg24 : memref<80x128xf32, #tpu.memory_space<vmem>>) dst(%dma_wait3A_611 : memref<10240x128xf32, #tpu.memory_space<vmem_shared>>)
      } else {
      }
      %add3A_290 = arith.constant 1 : i32
      %add3A_291 = arith.addi %mul3A_287, %add3A_290 : i32
      %mul3A_292 = arith.constant 4 : i32
      %mul3A_293 = arith.muli %add3A_291, %mul3A_292 : i32
      %add3A_294 = arith.constant 0 : i32
      %add3A_295 = arith.addi %mul3A_293, %add3A_294 : i32
      %mul3A_296 = arith.constant 80 : i32
      %mul3A_297 = arith.muli %add3A_295, %mul3A_296 : i32
      %add3A_298 = arith.addi %mul3A_2, %mul3A_297 : i32
      %dma_start3A_299 = tpu.memref_slice %arg3[%add3A_298] : memref<640000xi32, #tpu.memory_space<hbm>> -> memref<80xi32, #tpu.memory_space<hbm>>
      %dma_start3A_300 = tpu.memref_slice %arg3[%add3A_298] : memref<640000xi32, #tpu.memory_space<hbm>> -> memref<80xi32, #tpu.memory_space<hbm>>
      tpu.enqueue_dma source(%dma_start3A_300 : memref<80xi32, #tpu.memory_space<hbm>>) target(%arg9 : memref<80xi32, #tpu.memory_space<vmem>>) target_semaphore(%arg30 : memref<!tpu.dma_semaphore, #tpu.memory_space<semaphore_mem>>)
      %add3A_301 = arith.constant 320000 : i32
      %add3A_302 = arith.addi %add3A_301, %add3A_298 : i32
      %dma_start3A_303 = tpu.memref_slice %arg3[%add3A_302] : memref<640000xi32, #tpu.memory_space<hbm>> -> memref<80xi32, #tpu.memory_space<hbm>>
      %dma_start3A_304 = tpu.memref_slice %arg3[%add3A_302] : memref<640000xi32, #tpu.memory_space<hbm>> -> memref<80xi32, #tpu.memory_space<hbm>>
      tpu.enqueue_dma source(%dma_start3A_304 : memref<80xi32, #tpu.memory_space<hbm>>) target(%arg17 : memref<80xi32, #tpu.memory_space<vmem>>) target_semaphore(%arg30 : memref<!tpu.dma_semaphore, #tpu.memory_space<semaphore_mem>>)
      %add3A_305 = arith.constant 1 : i32
      %add3A_306 = arith.addi %mul3A_287, %add3A_305 : i32
      %mul3A_307 = arith.constant 4 : i32
      %mul3A_308 = arith.muli %add3A_306, %mul3A_307 : i32
      %add3A_309 = arith.constant 1 : i32
      %add3A_310 = arith.addi %mul3A_308, %add3A_309 : i32
      %mul3A_311 = arith.constant 80 : i32
      %mul3A_312 = arith.muli %add3A_310, %mul3A_311 : i32
      %add3A_313 = arith.addi %mul3A_2, %mul3A_312 : i32
      %dma_start3A_314 = tpu.memref_slice %arg3[%add3A_313] : memref<640000xi32, #tpu.memory_space<hbm>> -> memref<80xi32, #tpu.memory_space<hbm>>
      %dma_start3A_315 = tpu.memref_slice %arg3[%add3A_313] : memref<640000xi32, #tpu.memory_space<hbm>> -> memref<80xi32, #tpu.memory_space<hbm>>
      tpu.enqueue_dma source(%dma_start3A_315 : memref<80xi32, #tpu.memory_space<hbm>>) target(%arg10 : memref<80xi32, #tpu.memory_space<vmem>>) target_semaphore(%arg31 : memref<!tpu.dma_semaphore, #tpu.memory_space<semaphore_mem>>)
      %add3A_316 = arith.constant 320000 : i32
      %add3A_317 = arith.addi %add3A_316, %add3A_313 : i32
      %dma_start3A_318 = tpu.memref_slice %arg3[%add3A_317] : memref<640000xi32, #tpu.memory_space<hbm>> -> memref<80xi32, #tpu.memory_space<hbm>>
      %dma_start3A_319 = tpu.memref_slice %arg3[%add3A_317] : memref<640000xi32, #tpu.memory_space<hbm>> -> memref<80xi32, #tpu.memory_space<hbm>>
      tpu.enqueue_dma source(%dma_start3A_319 : memref<80xi32, #tpu.memory_space<hbm>>) target(%arg18 : memref<80xi32, #tpu.memory_space<vmem>>) target_semaphore(%arg31 : memref<!tpu.dma_semaphore, #tpu.memory_space<semaphore_mem>>)
      %add3A_320 = arith.constant 1 : i32
      %add3A_321 = arith.addi %mul3A_287, %add3A_320 : i32
      %mul3A_322 = arith.constant 4 : i32
      %mul3A_323 = arith.muli %add3A_321, %mul3A_322 : i32
      %add3A_324 = arith.constant 2 : i32
      %add3A_325 = arith.addi %mul3A_323, %add3A_324 : i32
      %mul3A_326 = arith.constant 80 : i32
      %mul3A_327 = arith.muli %add3A_325, %mul3A_326 : i32
      %add3A_328 = arith.addi %mul3A_2, %mul3A_327 : i32
      %dma_start3A_329 = tpu.memref_slice %arg3[%add3A_328] : memref<640000xi32, #tpu.memory_space<hbm>> -> memref<80xi32, #tpu.memory_space<hbm>>
      %dma_start3A_330 = tpu.memref_slice %arg3[%add3A_328] : memref<640000xi32, #tpu.memory_space<hbm>> -> memref<80xi32, #tpu.memory_space<hbm>>
      tpu.enqueue_dma source(%dma_start3A_330 : memref<80xi32, #tpu.memory_space<hbm>>) target(%arg11 : memref<80xi32, #tpu.memory_space<vmem>>) target_semaphore(%arg32 : memref<!tpu.dma_semaphore, #tpu.memory_space<semaphore_mem>>)
      %add3A_331 = arith.constant 320000 : i32
      %add3A_332 = arith.addi %add3A_331, %add3A_328 : i32
      %dma_start3A_333 = tpu.memref_slice %arg3[%add3A_332] : memref<640000xi32, #tpu.memory_space<hbm>> -> memref<80xi32, #tpu.memory_space<hbm>>
      %dma_start3A_334 = tpu.memref_slice %arg3[%add3A_332] : memref<640000xi32, #tpu.memory_space<hbm>> -> memref<80xi32, #tpu.memory_space<hbm>>
      tpu.enqueue_dma source(%dma_start3A_334 : memref<80xi32, #tpu.memory_space<hbm>>) target(%arg19 : memref<80xi32, #tpu.memory_space<vmem>>) target_semaphore(%arg32 : memref<!tpu.dma_semaphore, #tpu.memory_space<semaphore_mem>>)
      %add3A_335 = arith.constant 1 : i32
      %add3A_336 = arith.addi %mul3A_287, %add3A_335 : i32
      %mul3A_337 = arith.constant 4 : i32
      %mul3A_338 = arith.muli %add3A_336, %mul3A_337 : i32
      %add3A_339 = arith.constant 3 : i32
      %add3A_340 = arith.addi %mul3A_338, %add3A_339 : i32
      %mul3A_341 = arith.constant 80 : i32
      %mul3A_342 = arith.muli %add3A_340, %mul3A_341 : i32
      %add3A_343 = arith.addi %mul3A_2, %mul3A_342 : i32
      %dma_start3A_344 = tpu.memref_slice %arg3[%add3A_343] : memref<640000xi32, #tpu.memory_space<hbm>> -> memref<80xi32, #tpu.memory_space<hbm>>
      %dma_start3A_345 = tpu.memref_slice %arg3[%add3A_343] : memref<640000xi32, #tpu.memory_space<hbm>> -> memref<80xi32, #tpu.memory_space<hbm>>
      tpu.enqueue_dma source(%dma_start3A_345 : memref<80xi32, #tpu.memory_space<hbm>>) target(%arg12 : memref<80xi32, #tpu.memory_space<vmem>>) target_semaphore(%arg33 : memref<!tpu.dma_semaphore, #tpu.memory_space<semaphore_mem>>)
      %add3A_346 = arith.constant 320000 : i32
      %add3A_347 = arith.addi %add3A_346, %add3A_343 : i32
      %dma_start3A_348 = tpu.memref_slice %arg3[%add3A_347] : memref<640000xi32, #tpu.memory_space<hbm>> -> memref<80xi32, #tpu.memory_space<hbm>>
      %dma_start3A_349 = tpu.memref_slice %arg3[%add3A_347] : memref<640000xi32, #tpu.memory_space<hbm>> -> memref<80xi32, #tpu.memory_space<hbm>>
      tpu.enqueue_dma source(%dma_start3A_349 : memref<80xi32, #tpu.memory_space<hbm>>) target(%arg20 : memref<80xi32, #tpu.memory_space<vmem>>) target_semaphore(%arg33 : memref<!tpu.dma_semaphore, #tpu.memory_space<semaphore_mem>>)
      %mul3A_350 = arith.constant 4 : i32
      %mul3A_351 = arith.muli %mul3A_287, %mul3A_350 : i32
      %add3A_352 = arith.constant 0 : i32
      %add3A_353 = arith.addi %mul3A_351, %add3A_352 : i32
      %mul3A_354 = arith.constant 80 : i32
      %mul3A_355 = arith.muli %add3A_353, %mul3A_354 : i32
      %add3A_356 = arith.addi %mul3A_2, %mul3A_355 : i32
      %dma_wait3A_357 = tpu.memref_slice %arg3[%add3A_356] : memref<640000xi32, #tpu.memory_space<hbm>> -> memref<80xi32, #tpu.memory_space<hbm>>
      %dma_wait3A_358 = tpu.memref_slice %arg3[%add3A_356] : memref<640000xi32, #tpu.memory_space<hbm>> -> memref<80xi32, #tpu.memory_space<hbm>>
      tpu.wait_dma2 semaphore(%arg26 : memref<!tpu.dma_semaphore, #tpu.memory_space<semaphore_mem>>) src(%dma_wait3A_358 : memref<80xi32, #tpu.memory_space<hbm>>) dst(%arg5 : memref<80xi32, #tpu.memory_space<vmem>>)
      %add3A_359 = arith.constant 320000 : i32
      %add3A_360 = arith.addi %add3A_359, %add3A_356 : i32
      %dma_wait3A_361 = tpu.memref_slice %arg3[%add3A_360] : memref<640000xi32, #tpu.memory_space<hbm>> -> memref<80xi32, #tpu.memory_space<hbm>>
      %dma_wait3A_362 = tpu.memref_slice %arg3[%add3A_360] : memref<640000xi32, #tpu.memory_space<hbm>> -> memref<80xi32, #tpu.memory_space<hbm>>
      tpu.wait_dma2 semaphore(%arg26 : memref<!tpu.dma_semaphore, #tpu.memory_space<semaphore_mem>>) src(%dma_wait3A_362 : memref<80xi32, #tpu.memory_space<hbm>>) dst(%arg13 : memref<80xi32, #tpu.memory_space<vmem>>)
      %dma_start3A_363 = arith.constant 0 : i32
      %dma_start3A_364 = arith.constant 0 : i32
      %dma_start3A_365 = tpu.memref_slice %arg2[%dma_start3A_363, %dma_start3A_364] : memref<10000x128xf32, #tpu.memory_space<hbm>> -> memref<10000x128xf32, #tpu.memory_space<hbm>>
      tpu.enqueue_indirect_dma source(%dma_start3A_365 : memref<10000x128xf32, #tpu.memory_space<hbm>>) target(%arg21 : memref<80x128xf32, #tpu.memory_space<vmem>>) offsets(%arg5 : memref<80xi32, #tpu.memory_space<vmem>>) semaphore(%arg34 : memref<!tpu.dma_semaphore, #tpu.memory_space<semaphore_mem>>)
      %mul3A_366 = arith.constant 4 : i32
      %mul3A_367 = arith.muli %mul3A_287, %mul3A_366 : i32
      %add3A_368 = arith.constant 1 : i32
      %add3A_369 = arith.addi %mul3A_367, %add3A_368 : i32
      %mul3A_370 = arith.constant 80 : i32
      %mul3A_371 = arith.muli %add3A_369, %mul3A_370 : i32
      %add3A_372 = arith.addi %mul3A_2, %mul3A_371 : i32
      %dma_wait3A_373 = tpu.memref_slice %arg3[%add3A_372] : memref<640000xi32, #tpu.memory_space<hbm>> -> memref<80xi32, #tpu.memory_space<hbm>>
      %dma_wait3A_374 = tpu.memref_slice %arg3[%add3A_372] : memref<640000xi32, #tpu.memory_space<hbm>> -> memref<80xi32, #tpu.memory_space<hbm>>
      tpu.wait_dma2 semaphore(%arg27 : memref<!tpu.dma_semaphore, #tpu.memory_space<semaphore_mem>>) src(%dma_wait3A_374 : memref<80xi32, #tpu.memory_space<hbm>>) dst(%arg6 : memref<80xi32, #tpu.memory_space<vmem>>)
      %add3A_375 = arith.constant 320000 : i32
      %add3A_376 = arith.addi %add3A_375, %add3A_372 : i32
      %dma_wait3A_377 = tpu.memref_slice %arg3[%add3A_376] : memref<640000xi32, #tpu.memory_space<hbm>> -> memref<80xi32, #tpu.memory_space<hbm>>
      %dma_wait3A_378 = tpu.memref_slice %arg3[%add3A_376] : memref<640000xi32, #tpu.memory_space<hbm>> -> memref<80xi32, #tpu.memory_space<hbm>>
      tpu.wait_dma2 semaphore(%arg27 : memref<!tpu.dma_semaphore, #tpu.memory_space<semaphore_mem>>) src(%dma_wait3A_378 : memref<80xi32, #tpu.memory_space<hbm>>) dst(%arg14 : memref<80xi32, #tpu.memory_space<vmem>>)
      %dma_start3A_379 = arith.constant 0 : i32
      %dma_start3A_380 = arith.constant 0 : i32
      %dma_start3A_381 = tpu.memref_slice %arg2[%dma_start3A_379, %dma_start3A_380] : memref<10000x128xf32, #tpu.memory_space<hbm>> -> memref<10000x128xf32, #tpu.memory_space<hbm>>
      tpu.enqueue_indirect_dma source(%dma_start3A_381 : memref<10000x128xf32, #tpu.memory_space<hbm>>) target(%arg22 : memref<80x128xf32, #tpu.memory_space<vmem>>) offsets(%arg6 : memref<80xi32, #tpu.memory_space<vmem>>) semaphore(%arg35 : memref<!tpu.dma_semaphore, #tpu.memory_space<semaphore_mem>>)
      %mul3A_382 = arith.constant 4 : i32
      %mul3A_383 = arith.muli %mul3A_287, %mul3A_382 : i32
      %add3A_384 = arith.constant 2 : i32
      %add3A_385 = arith.addi %mul3A_383, %add3A_384 : i32
      %mul3A_386 = arith.constant 80 : i32
      %mul3A_387 = arith.muli %add3A_385, %mul3A_386 : i32
      %add3A_388 = arith.addi %mul3A_2, %mul3A_387 : i32
      %dma_wait3A_389 = tpu.memref_slice %arg3[%add3A_388] : memref<640000xi32, #tpu.memory_space<hbm>> -> memref<80xi32, #tpu.memory_space<hbm>>
      %dma_wait3A_390 = tpu.memref_slice %arg3[%add3A_388] : memref<640000xi32, #tpu.memory_space<hbm>> -> memref<80xi32, #tpu.memory_space<hbm>>
      tpu.wait_dma2 semaphore(%arg28 : memref<!tpu.dma_semaphore, #tpu.memory_space<semaphore_mem>>) src(%dma_wait3A_390 : memref<80xi32, #tpu.memory_space<hbm>>) dst(%arg7 : memref<80xi32, #tpu.memory_space<vmem>>)
      %add3A_391 = arith.constant 320000 : i32
      %add3A_392 = arith.addi %add3A_391, %add3A_388 : i32
      %dma_wait3A_393 = tpu.memref_slice %arg3[%add3A_392] : memref<640000xi32, #tpu.memory_space<hbm>> -> memref<80xi32, #tpu.memory_space<hbm>>
      %dma_wait3A_394 = tpu.memref_slice %arg3[%add3A_392] : memref<640000xi32, #tpu.memory_space<hbm>> -> memref<80xi32, #tpu.memory_space<hbm>>
      tpu.wait_dma2 semaphore(%arg28 : memref<!tpu.dma_semaphore, #tpu.memory_space<semaphore_mem>>) src(%dma_wait3A_394 : memref<80xi32, #tpu.memory_space<hbm>>) dst(%arg15 : memref<80xi32, #tpu.memory_space<vmem>>)
      %dma_start3A_395 = arith.constant 0 : i32
      %dma_start3A_396 = arith.constant 0 : i32
      %dma_start3A_397 = tpu.memref_slice %arg2[%dma_start3A_395, %dma_start3A_396] : memref<10000x128xf32, #tpu.memory_space<hbm>> -> memref<10000x128xf32, #tpu.memory_space<hbm>>
      tpu.enqueue_indirect_dma source(%dma_start3A_397 : memref<10000x128xf32, #tpu.memory_space<hbm>>) target(%arg23 : memref<80x128xf32, #tpu.memory_space<vmem>>) offsets(%arg7 : memref<80xi32, #tpu.memory_space<vmem>>) semaphore(%arg36 : memref<!tpu.dma_semaphore, #tpu.memory_space<semaphore_mem>>)
      %mul3A_398 = arith.constant 4 : i32
      %mul3A_399 = arith.muli %mul3A_287, %mul3A_398 : i32
      %add3A_400 = arith.constant 3 : i32
      %add3A_401 = arith.addi %mul3A_399, %add3A_400 : i32
      %mul3A_402 = arith.constant 80 : i32
      %mul3A_403 = arith.muli %add3A_401, %mul3A_402 : i32
      %add3A_404 = arith.addi %mul3A_2, %mul3A_403 : i32
      %dma_wait3A_405 = tpu.memref_slice %arg3[%add3A_404] : memref<640000xi32, #tpu.memory_space<hbm>> -> memref<80xi32, #tpu.memory_space<hbm>>
      %dma_wait3A_406 = tpu.memref_slice %arg3[%add3A_404] : memref<640000xi32, #tpu.memory_space<hbm>> -> memref<80xi32, #tpu.memory_space<hbm>>
      tpu.wait_dma2 semaphore(%arg29 : memref<!tpu.dma_semaphore, #tpu.memory_space<semaphore_mem>>) src(%dma_wait3A_406 : memref<80xi32, #tpu.memory_space<hbm>>) dst(%arg8 : memref<80xi32, #tpu.memory_space<vmem>>)
      %add3A_407 = arith.constant 320000 : i32
      %add3A_408 = arith.addi %add3A_407, %add3A_404 : i32
      %dma_wait3A_409 = tpu.memref_slice %arg3[%add3A_408] : memref<640000xi32, #tpu.memory_space<hbm>> -> memref<80xi32, #tpu.memory_space<hbm>>
      %dma_wait3A_410 = tpu.memref_slice %arg3[%add3A_408] : memref<640000xi32, #tpu.memory_space<hbm>> -> memref<80xi32, #tpu.memory_space<hbm>>
      tpu.wait_dma2 semaphore(%arg29 : memref<!tpu.dma_semaphore, #tpu.memory_space<semaphore_mem>>) src(%dma_wait3A_410 : memref<80xi32, #tpu.memory_space<hbm>>) dst(%arg16 : memref<80xi32, #tpu.memory_space<vmem>>)
      %dma_start3A_411 = arith.constant 0 : i32
      %dma_start3A_412 = arith.constant 0 : i32
      %dma_start3A_413 = tpu.memref_slice %arg2[%dma_start3A_411, %dma_start3A_412] : memref<10000x128xf32, #tpu.memory_space<hbm>> -> memref<10000x128xf32, #tpu.memory_space<hbm>>
      tpu.enqueue_indirect_dma source(%dma_start3A_413 : memref<10000x128xf32, #tpu.memory_space<hbm>>) target(%arg24 : memref<80x128xf32, #tpu.memory_space<vmem>>) offsets(%arg8 : memref<80xi32, #tpu.memory_space<vmem>>) semaphore(%arg37 : memref<!tpu.dma_semaphore, #tpu.memory_space<semaphore_mem>>)
      %dma_wait3A_414 = arith.constant 0 : i32
      %dma_wait3A_415 = arith.constant 0 : i32
      %dma_wait3A_416 = tpu.memref_slice %arg2[%dma_wait3A_414, %dma_wait3A_415] : memref<10000x128xf32, #tpu.memory_space<hbm>> -> memref<10000x128xf32, #tpu.memory_space<hbm>>
      tpu.wait_indirect_dma semaphore(%arg34 : memref<!tpu.dma_semaphore, #tpu.memory_space<semaphore_mem>>) src(%dma_wait3A_416 : memref<10000x128xf32, #tpu.memory_space<hbm>>) dst(%arg21 : memref<80x128xf32, #tpu.memory_space<vmem>>)
      %dma_start3A_417 = arith.constant 0 : i32
      %dma_start3A_418 = arith.constant 0 : i32
      %dma_start3A_419 = tpu.memref_slice %arg25[%dma_start3A_417, %dma_start3A_418] : memref<10240x128xf32, #tpu.memory_space<vmem_shared>> -> memref<10240x128xf32, #tpu.memory_space<vmem_shared>>
      tpu.enqueue_indirect_dma source(%arg21 : memref<80x128xf32, #tpu.memory_space<vmem>>) target(%dma_start3A_419 : memref<10240x128xf32, #tpu.memory_space<vmem_shared>>) offsets(%arg13 : memref<80xi32, #tpu.memory_space<vmem>>) semaphore(%arg38 : memref<!tpu.dma_semaphore, #tpu.memory_space<semaphore_mem>>) {add = true}
      %dma_wait3A_420 = arith.constant 0 : i32
      %dma_wait3A_421 = arith.constant 0 : i32
      %dma_wait3A_422 = tpu.memref_slice %arg2[%dma_wait3A_420, %dma_wait3A_421] : memref<10000x128xf32, #tpu.memory_space<hbm>> -> memref<10000x128xf32, #tpu.memory_space<hbm>>
      tpu.wait_indirect_dma semaphore(%arg35 : memref<!tpu.dma_semaphore, #tpu.memory_space<semaphore_mem>>) src(%dma_wait3A_422 : memref<10000x128xf32, #tpu.memory_space<hbm>>) dst(%arg22 : memref<80x128xf32, #tpu.memory_space<vmem>>)
      %dma_start3A_423 = arith.constant 0 : i32
      %dma_start3A_424 = arith.constant 0 : i32
      %dma_start3A_425 = tpu.memref_slice %arg25[%dma_start3A_423, %dma_start3A_424] : memref<10240x128xf32, #tpu.memory_space<vmem_shared>> -> memref<10240x128xf32, #tpu.memory_space<vmem_shared>>
      tpu.enqueue_indirect_dma source(%arg22 : memref<80x128xf32, #tpu.memory_space<vmem>>) target(%dma_start3A_425 : memref<10240x128xf32, #tpu.memory_space<vmem_shared>>) offsets(%arg14 : memref<80xi32, #tpu.memory_space<vmem>>) semaphore(%arg39 : memref<!tpu.dma_semaphore, #tpu.memory_space<semaphore_mem>>) {add = true}
      %dma_wait3A_426 = arith.constant 0 : i32
      %dma_wait3A_427 = arith.constant 0 : i32
      %dma_wait3A_428 = tpu.memref_slice %arg2[%dma_wait3A_426, %dma_wait3A_427] : memref<10000x128xf32, #tpu.memory_space<hbm>> -> memref<10000x128xf32, #tpu.memory_space<hbm>>
      tpu.wait_indirect_dma semaphore(%arg36 : memref<!tpu.dma_semaphore, #tpu.memory_space<semaphore_mem>>) src(%dma_wait3A_428 : memref<10000x128xf32, #tpu.memory_space<hbm>>) dst(%arg23 : memref<80x128xf32, #tpu.memory_space<vmem>>)
      %dma_start3A_429 = arith.constant 0 : i32
      %dma_start3A_430 = arith.constant 0 : i32
      %dma_start3A_431 = tpu.memref_slice %arg25[%dma_start3A_429, %dma_start3A_430] : memref<10240x128xf32, #tpu.memory_space<vmem_shared>> -> memref<10240x128xf32, #tpu.memory_space<vmem_shared>>
      tpu.enqueue_indirect_dma source(%arg23 : memref<80x128xf32, #tpu.memory_space<vmem>>) target(%dma_start3A_431 : memref<10240x128xf32, #tpu.memory_space<vmem_shared>>) offsets(%arg15 : memref<80xi32, #tpu.memory_space<vmem>>) semaphore(%arg40 : memref<!tpu.dma_semaphore, #tpu.memory_space<semaphore_mem>>) {add = true}
      %dma_wait3A_432 = arith.constant 0 : i32
      %dma_wait3A_433 = arith.constant 0 : i32
      %dma_wait3A_434 = tpu.memref_slice %arg2[%dma_wait3A_432, %dma_wait3A_433] : memref<10000x128xf32, #tpu.memory_space<hbm>> -> memref<10000x128xf32, #tpu.memory_space<hbm>>
      tpu.wait_indirect_dma semaphore(%arg37 : memref<!tpu.dma_semaphore, #tpu.memory_space<semaphore_mem>>) src(%dma_wait3A_434 : memref<10000x128xf32, #tpu.memory_space<hbm>>) dst(%arg24 : memref<80x128xf32, #tpu.memory_space<vmem>>)
      %dma_start3A_435 = arith.constant 0 : i32
      %dma_start3A_436 = arith.constant 0 : i32
      %dma_start3A_437 = tpu.memref_slice %arg25[%dma_start3A_435, %dma_start3A_436] : memref<10240x128xf32, #tpu.memory_space<vmem_shared>> -> memref<10240x128xf32, #tpu.memory_space<vmem_shared>>
      tpu.enqueue_indirect_dma source(%arg24 : memref<80x128xf32, #tpu.memory_space<vmem>>) target(%dma_start3A_437 : memref<10240x128xf32, #tpu.memory_space<vmem_shared>>) offsets(%arg16 : memref<80xi32, #tpu.memory_space<vmem>>) semaphore(%arg41 : memref<!tpu.dma_semaphore, #tpu.memory_space<semaphore_mem>>) {add = true}
      %add3A_438 = arith.constant 1 : i32
      %add3A_439 = arith.addi %mul3A_287, %add3A_438 : i32
      %dma_wait3A_440 = arith.constant 0 : i32
      %dma_wait3A_441 = arith.constant 0 : i32
      %dma_wait3A_442 = tpu.memref_slice %arg25[%dma_wait3A_440, %dma_wait3A_441] : memref<10240x128xf32, #tpu.memory_space<vmem_shared>> -> memref<10240x128xf32, #tpu.memory_space<vmem_shared>>
      tpu.wait_indirect_dma semaphore(%arg38 : memref<!tpu.dma_semaphore, #tpu.memory_space<semaphore_mem>>) src(%arg21 : memref<80x128xf32, #tpu.memory_space<vmem>>) dst(%dma_wait3A_442 : memref<10240x128xf32, #tpu.memory_space<vmem_shared>>)
      %dma_wait3A_443 = arith.constant 0 : i32
      %dma_wait3A_444 = arith.constant 0 : i32
      %dma_wait3A_445 = tpu.memref_slice %arg25[%dma_wait3A_443, %dma_wait3A_444] : memref<10240x128xf32, #tpu.memory_space<vmem_shared>> -> memref<10240x128xf32, #tpu.memory_space<vmem_shared>>
      tpu.wait_indirect_dma semaphore(%arg39 : memref<!tpu.dma_semaphore, #tpu.memory_space<semaphore_mem>>) src(%arg22 : memref<80x128xf32, #tpu.memory_space<vmem>>) dst(%dma_wait3A_445 : memref<10240x128xf32, #tpu.memory_space<vmem_shared>>)
      %dma_wait3A_446 = arith.constant 0 : i32
      %dma_wait3A_447 = arith.constant 0 : i32
      %dma_wait3A_448 = tpu.memref_slice %arg25[%dma_wait3A_446, %dma_wait3A_447] : memref<10240x128xf32, #tpu.memory_space<vmem_shared>> -> memref<10240x128xf32, #tpu.memory_space<vmem_shared>>
      tpu.wait_indirect_dma semaphore(%arg40 : memref<!tpu.dma_semaphore, #tpu.memory_space<semaphore_mem>>) src(%arg23 : memref<80x128xf32, #tpu.memory_space<vmem>>) dst(%dma_wait3A_448 : memref<10240x128xf32, #tpu.memory_space<vmem_shared>>)
      %dma_wait3A_449 = arith.constant 0 : i32
      %dma_wait3A_450 = arith.constant 0 : i32
      %dma_wait3A_451 = tpu.memref_slice %arg25[%dma_wait3A_449, %dma_wait3A_450] : memref<10240x128xf32, #tpu.memory_space<vmem_shared>> -> memref<10240x128xf32, #tpu.memory_space<vmem_shared>>
      tpu.wait_indirect_dma semaphore(%arg41 : memref<!tpu.dma_semaphore, #tpu.memory_space<semaphore_mem>>) src(%arg24 : memref<80x128xf32, #tpu.memory_space<vmem>>) dst(%dma_wait3A_451 : memref<10240x128xf32, #tpu.memory_space<vmem_shared>>)
      %add3A_452 = arith.constant 1 : i32
      %add3A_453 = arith.addi %add3A_439, %add3A_452 : i32
      %mul3A_454 = arith.constant 4 : i32
      %mul3A_455 = arith.muli %add3A_453, %mul3A_454 : i32
      %add3A_456 = arith.constant 0 : i32
      %add3A_457 = arith.addi %mul3A_455, %add3A_456 : i32
      %mul3A_458 = arith.constant 80 : i32
      %mul3A_459 = arith.muli %add3A_457, %mul3A_458 : i32
      %add3A_460 = arith.addi %mul3A_2, %mul3A_459 : i32
      %dma_start3A_461 = tpu.memref_slice %arg3[%add3A_460] : memref<640000xi32, #tpu.memory_space<hbm>> -> memref<80xi32, #tpu.memory_space<hbm>>
      %dma_start3A_462 = tpu.memref_slice %arg3[%add3A_460] : memref<640000xi32, #tpu.memory_space<hbm>> -> memref<80xi32, #tpu.memory_space<hbm>>
      tpu.enqueue_dma source(%dma_start3A_462 : memref<80xi32, #tpu.memory_space<hbm>>) target(%arg5 : memref<80xi32, #tpu.memory_space<vmem>>) target_semaphore(%arg26 : memref<!tpu.dma_semaphore, #tpu.memory_space<semaphore_mem>>)
      %add3A_463 = arith.constant 320000 : i32
      %add3A_464 = arith.addi %add3A_463, %add3A_460 : i32
      %dma_start3A_465 = tpu.memref_slice %arg3[%add3A_464] : memref<640000xi32, #tpu.memory_space<hbm>> -> memref<80xi32, #tpu.memory_space<hbm>>
      %dma_start3A_466 = tpu.memref_slice %arg3[%add3A_464] : memref<640000xi32, #tpu.memory_space<hbm>> -> memref<80xi32, #tpu.memory_space<hbm>>
      tpu.enqueue_dma source(%dma_start3A_466 : memref<80xi32, #tpu.memory_space<hbm>>) target(%arg13 : memref<80xi32, #tpu.memory_space<vmem>>) target_semaphore(%arg26 : memref<!tpu.dma_semaphore, #tpu.memory_space<semaphore_mem>>)
      %add3A_467 = arith.constant 1 : i32
      %add3A_468 = arith.addi %add3A_439, %add3A_467 : i32
      %mul3A_469 = arith.constant 4 : i32
      %mul3A_470 = arith.muli %add3A_468, %mul3A_469 : i32
      %add3A_471 = arith.constant 1 : i32
      %add3A_472 = arith.addi %mul3A_470, %add3A_471 : i32
      %mul3A_473 = arith.constant 80 : i32
      %mul3A_474 = arith.muli %add3A_472, %mul3A_473 : i32
      %add3A_475 = arith.addi %mul3A_2, %mul3A_474 : i32
      %dma_start3A_476 = tpu.memref_slice %arg3[%add3A_475] : memref<640000xi32, #tpu.memory_space<hbm>> -> memref<80xi32, #tpu.memory_space<hbm>>
      %dma_start3A_477 = tpu.memref_slice %arg3[%add3A_475] : memref<640000xi32, #tpu.memory_space<hbm>> -> memref<80xi32, #tpu.memory_space<hbm>>
      tpu.enqueue_dma source(%dma_start3A_477 : memref<80xi32, #tpu.memory_space<hbm>>) target(%arg6 : memref<80xi32, #tpu.memory_space<vmem>>) target_semaphore(%arg27 : memref<!tpu.dma_semaphore, #tpu.memory_space<semaphore_mem>>)
      %add3A_478 = arith.constant 320000 : i32
      %add3A_479 = arith.addi %add3A_478, %add3A_475 : i32
      %dma_start3A_480 = tpu.memref_slice %arg3[%add3A_479] : memref<640000xi32, #tpu.memory_space<hbm>> -> memref<80xi32, #tpu.memory_space<hbm>>
      %dma_start3A_481 = tpu.memref_slice %arg3[%add3A_479] : memref<640000xi32, #tpu.memory_space<hbm>> -> memref<80xi32, #tpu.memory_space<hbm>>
      tpu.enqueue_dma source(%dma_start3A_481 : memref<80xi32, #tpu.memory_space<hbm>>) target(%arg14 : memref<80xi32, #tpu.memory_space<vmem>>) target_semaphore(%arg27 : memref<!tpu.dma_semaphore, #tpu.memory_space<semaphore_mem>>)
      %add3A_482 = arith.constant 1 : i32
      %add3A_483 = arith.addi %add3A_439, %add3A_482 : i32
      %mul3A_484 = arith.constant 4 : i32
      %mul3A_485 = arith.muli %add3A_483, %mul3A_484 : i32
      %add3A_486 = arith.constant 2 : i32
      %add3A_487 = arith.addi %mul3A_485, %add3A_486 : i32
      %mul3A_488 = arith.constant 80 : i32
      %mul3A_489 = arith.muli %add3A_487, %mul3A_488 : i32
      %add3A_490 = arith.addi %mul3A_2, %mul3A_489 : i32
      %dma_start3A_491 = tpu.memref_slice %arg3[%add3A_490] : memref<640000xi32, #tpu.memory_space<hbm>> -> memref<80xi32, #tpu.memory_space<hbm>>
      %dma_start3A_492 = tpu.memref_slice %arg3[%add3A_490] : memref<640000xi32, #tpu.memory_space<hbm>> -> memref<80xi32, #tpu.memory_space<hbm>>
      tpu.enqueue_dma source(%dma_start3A_492 : memref<80xi32, #tpu.memory_space<hbm>>) target(%arg7 : memref<80xi32, #tpu.memory_space<vmem>>) target_semaphore(%arg28 : memref<!tpu.dma_semaphore, #tpu.memory_space<semaphore_mem>>)
      %add3A_493 = arith.constant 320000 : i32
      %add3A_494 = arith.addi %add3A_493, %add3A_490 : i32
      %dma_start3A_495 = tpu.memref_slice %arg3[%add3A_494] : memref<640000xi32, #tpu.memory_space<hbm>> -> memref<80xi32, #tpu.memory_space<hbm>>
      %dma_start3A_496 = tpu.memref_slice %arg3[%add3A_494] : memref<640000xi32, #tpu.memory_space<hbm>> -> memref<80xi32, #tpu.memory_space<hbm>>
      tpu.enqueue_dma source(%dma_start3A_496 : memref<80xi32, #tpu.memory_space<hbm>>) target(%arg15 : memref<80xi32, #tpu.memory_space<vmem>>) target_semaphore(%arg28 : memref<!tpu.dma_semaphore, #tpu.memory_space<semaphore_mem>>)
      %add3A_497 = arith.constant 1 : i32
      %add3A_498 = arith.addi %add3A_439, %add3A_497 : i32
      %mul3A_499 = arith.constant 4 : i32
      %mul3A_500 = arith.muli %add3A_498, %mul3A_499 : i32
      %add3A_501 = arith.constant 3 : i32
      %add3A_502 = arith.addi %mul3A_500, %add3A_501 : i32
      %mul3A_503 = arith.constant 80 : i32
      %mul3A_504 = arith.muli %add3A_502, %mul3A_503 : i32
      %add3A_505 = arith.addi %mul3A_2, %mul3A_504 : i32
      %dma_start3A_506 = tpu.memref_slice %arg3[%add3A_505] : memref<640000xi32, #tpu.memory_space<hbm>> -> memref<80xi32, #tpu.memory_space<hbm>>
      %dma_start3A_507 = tpu.memref_slice %arg3[%add3A_505] : memref<640000xi32, #tpu.memory_space<hbm>> -> memref<80xi32, #tpu.memory_space<hbm>>
      tpu.enqueue_dma source(%dma_start3A_507 : memref<80xi32, #tpu.memory_space<hbm>>) target(%arg8 : memref<80xi32, #tpu.memory_space<vmem>>) target_semaphore(%arg29 : memref<!tpu.dma_semaphore, #tpu.memory_space<semaphore_mem>>)
      %add3A_508 = arith.constant 320000 : i32
      %add3A_509 = arith.addi %add3A_508, %add3A_505 : i32
      %dma_start3A_510 = tpu.memref_slice %arg3[%add3A_509] : memref<640000xi32, #tpu.memory_space<hbm>> -> memref<80xi32, #tpu.memory_space<hbm>>
      %dma_start3A_511 = tpu.memref_slice %arg3[%add3A_509] : memref<640000xi32, #tpu.memory_space<hbm>> -> memref<80xi32, #tpu.memory_space<hbm>>
      tpu.enqueue_dma source(%dma_start3A_511 : memref<80xi32, #tpu.memory_space<hbm>>) target(%arg16 : memref<80xi32, #tpu.memory_space<vmem>>) target_semaphore(%arg29 : memref<!tpu.dma_semaphore, #tpu.memory_space<semaphore_mem>>)
      %mul3A_512 = arith.constant 4 : i32
      %mul3A_513 = arith.muli %add3A_439, %mul3A_512 : i32
      %add3A_514 = arith.constant 0 : i32
      %add3A_515 = arith.addi %mul3A_513, %add3A_514 : i32
      %mul3A_516 = arith.constant 80 : i32
      %mul3A_517 = arith.muli %add3A_515, %mul3A_516 : i32
      %add3A_518 = arith.addi %mul3A_2, %mul3A_517 : i32
      %dma_wait3A_519 = tpu.memref_slice %arg3[%add3A_518] : memref<640000xi32, #tpu.memory_space<hbm>> -> memref<80xi32, #tpu.memory_space<hbm>>
      %dma_wait3A_520 = tpu.memref_slice %arg3[%add3A_518] : memref<640000xi32, #tpu.memory_space<hbm>> -> memref<80xi32, #tpu.memory_space<hbm>>
      tpu.wait_dma2 semaphore(%arg30 : memref<!tpu.dma_semaphore, #tpu.memory_space<semaphore_mem>>) src(%dma_wait3A_520 : memref<80xi32, #tpu.memory_space<hbm>>) dst(%arg9 : memref<80xi32, #tpu.memory_space<vmem>>)
      %add3A_521 = arith.constant 320000 : i32
      %add3A_522 = arith.addi %add3A_521, %add3A_518 : i32
      %dma_wait3A_523 = tpu.memref_slice %arg3[%add3A_522] : memref<640000xi32, #tpu.memory_space<hbm>> -> memref<80xi32, #tpu.memory_space<hbm>>
      %dma_wait3A_524 = tpu.memref_slice %arg3[%add3A_522] : memref<640000xi32, #tpu.memory_space<hbm>> -> memref<80xi32, #tpu.memory_space<hbm>>
      tpu.wait_dma2 semaphore(%arg30 : memref<!tpu.dma_semaphore, #tpu.memory_space<semaphore_mem>>) src(%dma_wait3A_524 : memref<80xi32, #tpu.memory_space<hbm>>) dst(%arg17 : memref<80xi32, #tpu.memory_space<vmem>>)
      %dma_start3A_525 = arith.constant 0 : i32
      %dma_start3A_526 = arith.constant 0 : i32
      %dma_start3A_527 = tpu.memref_slice %arg2[%dma_start3A_525, %dma_start3A_526] : memref<10000x128xf32, #tpu.memory_space<hbm>> -> memref<10000x128xf32, #tpu.memory_space<hbm>>
      tpu.enqueue_indirect_dma source(%dma_start3A_527 : memref<10000x128xf32, #tpu.memory_space<hbm>>) target(%arg21 : memref<80x128xf32, #tpu.memory_space<vmem>>) offsets(%arg9 : memref<80xi32, #tpu.memory_space<vmem>>) semaphore(%arg34 : memref<!tpu.dma_semaphore, #tpu.memory_space<semaphore_mem>>)
      %mul3A_528 = arith.constant 4 : i32
      %mul3A_529 = arith.muli %add3A_439, %mul3A_528 : i32
      %add3A_530 = arith.constant 1 : i32
      %add3A_531 = arith.addi %mul3A_529, %add3A_530 : i32
      %mul3A_532 = arith.constant 80 : i32
      %mul3A_533 = arith.muli %add3A_531, %mul3A_532 : i32
      %add3A_534 = arith.addi %mul3A_2, %mul3A_533 : i32
      %dma_wait3A_535 = tpu.memref_slice %arg3[%add3A_534] : memref<640000xi32, #tpu.memory_space<hbm>> -> memref<80xi32, #tpu.memory_space<hbm>>
      %dma_wait3A_536 = tpu.memref_slice %arg3[%add3A_534] : memref<640000xi32, #tpu.memory_space<hbm>> -> memref<80xi32, #tpu.memory_space<hbm>>
      tpu.wait_dma2 semaphore(%arg31 : memref<!tpu.dma_semaphore, #tpu.memory_space<semaphore_mem>>) src(%dma_wait3A_536 : memref<80xi32, #tpu.memory_space<hbm>>) dst(%arg10 : memref<80xi32, #tpu.memory_space<vmem>>)
      %add3A_537 = arith.constant 320000 : i32
      %add3A_538 = arith.addi %add3A_537, %add3A_534 : i32
      %dma_wait3A_539 = tpu.memref_slice %arg3[%add3A_538] : memref<640000xi32, #tpu.memory_space<hbm>> -> memref<80xi32, #tpu.memory_space<hbm>>
      %dma_wait3A_540 = tpu.memref_slice %arg3[%add3A_538] : memref<640000xi32, #tpu.memory_space<hbm>> -> memref<80xi32, #tpu.memory_space<hbm>>
      tpu.wait_dma2 semaphore(%arg31 : memref<!tpu.dma_semaphore, #tpu.memory_space<semaphore_mem>>) src(%dma_wait3A_540 : memref<80xi32, #tpu.memory_space<hbm>>) dst(%arg18 : memref<80xi32, #tpu.memory_space<vmem>>)
      %dma_start3A_541 = arith.constant 0 : i32
      %dma_start3A_542 = arith.constant 0 : i32
      %dma_start3A_543 = tpu.memref_slice %arg2[%dma_start3A_541, %dma_start3A_542] : memref<10000x128xf32, #tpu.memory_space<hbm>> -> memref<10000x128xf32, #tpu.memory_space<hbm>>
      tpu.enqueue_indirect_dma source(%dma_start3A_543 : memref<10000x128xf32, #tpu.memory_space<hbm>>) target(%arg22 : memref<80x128xf32, #tpu.memory_space<vmem>>) offsets(%arg10 : memref<80xi32, #tpu.memory_space<vmem>>) semaphore(%arg35 : memref<!tpu.dma_semaphore, #tpu.memory_space<semaphore_mem>>)
      %mul3A_544 = arith.constant 4 : i32
      %mul3A_545 = arith.muli %add3A_439, %mul3A_544 : i32
      %add3A_546 = arith.constant 2 : i32
      %add3A_547 = arith.addi %mul3A_545, %add3A_546 : i32
      %mul3A_548 = arith.constant 80 : i32
      %mul3A_549 = arith.muli %add3A_547, %mul3A_548 : i32
      %add3A_550 = arith.addi %mul3A_2, %mul3A_549 : i32
      %dma_wait3A_551 = tpu.memref_slice %arg3[%add3A_550] : memref<640000xi32, #tpu.memory_space<hbm>> -> memref<80xi32, #tpu.memory_space<hbm>>
      %dma_wait3A_552 = tpu.memref_slice %arg3[%add3A_550] : memref<640000xi32, #tpu.memory_space<hbm>> -> memref<80xi32, #tpu.memory_space<hbm>>
      tpu.wait_dma2 semaphore(%arg32 : memref<!tpu.dma_semaphore, #tpu.memory_space<semaphore_mem>>) src(%dma_wait3A_552 : memref<80xi32, #tpu.memory_space<hbm>>) dst(%arg11 : memref<80xi32, #tpu.memory_space<vmem>>)
      %add3A_553 = arith.constant 320000 : i32
      %add3A_554 = arith.addi %add3A_553, %add3A_550 : i32
      %dma_wait3A_555 = tpu.memref_slice %arg3[%add3A_554] : memref<640000xi32, #tpu.memory_space<hbm>> -> memref<80xi32, #tpu.memory_space<hbm>>
      %dma_wait3A_556 = tpu.memref_slice %arg3[%add3A_554] : memref<640000xi32, #tpu.memory_space<hbm>> -> memref<80xi32, #tpu.memory_space<hbm>>
      tpu.wait_dma2 semaphore(%arg32 : memref<!tpu.dma_semaphore, #tpu.memory_space<semaphore_mem>>) src(%dma_wait3A_556 : memref<80xi32, #tpu.memory_space<hbm>>) dst(%arg19 : memref<80xi32, #tpu.memory_space<vmem>>)
      %dma_start3A_557 = arith.constant 0 : i32
      %dma_start3A_558 = arith.constant 0 : i32
      %dma_start3A_559 = tpu.memref_slice %arg2[%dma_start3A_557, %dma_start3A_558] : memref<10000x128xf32, #tpu.memory_space<hbm>> -> memref<10000x128xf32, #tpu.memory_space<hbm>>
      tpu.enqueue_indirect_dma source(%dma_start3A_559 : memref<10000x128xf32, #tpu.memory_space<hbm>>) target(%arg23 : memref<80x128xf32, #tpu.memory_space<vmem>>) offsets(%arg11 : memref<80xi32, #tpu.memory_space<vmem>>) semaphore(%arg36 : memref<!tpu.dma_semaphore, #tpu.memory_space<semaphore_mem>>)
      %mul3A_560 = arith.constant 4 : i32
      %mul3A_561 = arith.muli %add3A_439, %mul3A_560 : i32
      %add3A_562 = arith.constant 3 : i32
      %add3A_563 = arith.addi %mul3A_561, %add3A_562 : i32
      %mul3A_564 = arith.constant 80 : i32
      %mul3A_565 = arith.muli %add3A_563, %mul3A_564 : i32
      %add3A_566 = arith.addi %mul3A_2, %mul3A_565 : i32
      %dma_wait3A_567 = tpu.memref_slice %arg3[%add3A_566] : memref<640000xi32, #tpu.memory_space<hbm>> -> memref<80xi32, #tpu.memory_space<hbm>>
      %dma_wait3A_568 = tpu.memref_slice %arg3[%add3A_566] : memref<640000xi32, #tpu.memory_space<hbm>> -> memref<80xi32, #tpu.memory_space<hbm>>
      tpu.wait_dma2 semaphore(%arg33 : memref<!tpu.dma_semaphore, #tpu.memory_space<semaphore_mem>>) src(%dma_wait3A_568 : memref<80xi32, #tpu.memory_space<hbm>>) dst(%arg12 : memref<80xi32, #tpu.memory_space<vmem>>)
      %add3A_569 = arith.constant 320000 : i32
      %add3A_570 = arith.addi %add3A_569, %add3A_566 : i32
      %dma_wait3A_571 = tpu.memref_slice %arg3[%add3A_570] : memref<640000xi32, #tpu.memory_space<hbm>> -> memref<80xi32, #tpu.memory_space<hbm>>
      %dma_wait3A_572 = tpu.memref_slice %arg3[%add3A_570] : memref<640000xi32, #tpu.memory_space<hbm>> -> memref<80xi32, #tpu.memory_space<hbm>>
      tpu.wait_dma2 semaphore(%arg33 : memref<!tpu.dma_semaphore, #tpu.memory_space<semaphore_mem>>) src(%dma_wait3A_572 : memref<80xi32, #tpu.memory_space<hbm>>) dst(%arg20 : memref<80xi32, #tpu.memory_space<vmem>>)
      %dma_start3A_573 = arith.constant 0 : i32
      %dma_start3A_574 = arith.constant 0 : i32
      %dma_start3A_575 = tpu.memref_slice %arg2[%dma_start3A_573, %dma_start3A_574] : memref<10000x128xf32, #tpu.memory_space<hbm>> -> memref<10000x128xf32, #tpu.memory_space<hbm>>
      tpu.enqueue_indirect_dma source(%dma_start3A_575 : memref<10000x128xf32, #tpu.memory_space<hbm>>) target(%arg24 : memref<80x128xf32, #tpu.memory_space<vmem>>) offsets(%arg12 : memref<80xi32, #tpu.memory_space<vmem>>) semaphore(%arg37 : memref<!tpu.dma_semaphore, #tpu.memory_space<semaphore_mem>>)
      %dma_wait3A_576 = arith.constant 0 : i32
      %dma_wait3A_577 = arith.constant 0 : i32
      %dma_wait3A_578 = tpu.memref_slice %arg2[%dma_wait3A_576, %dma_wait3A_577] : memref<10000x128xf32, #tpu.memory_space<hbm>> -> memref<10000x128xf32, #tpu.memory_space<hbm>>
      tpu.wait_indirect_dma semaphore(%arg34 : memref<!tpu.dma_semaphore, #tpu.memory_space<semaphore_mem>>) src(%dma_wait3A_578 : memref<10000x128xf32, #tpu.memory_space<hbm>>) dst(%arg21 : memref<80x128xf32, #tpu.memory_space<vmem>>)
      %dma_start3A_579 = arith.constant 0 : i32
      %dma_start3A_580 = arith.constant 0 : i32
      %dma_start3A_581 = tpu.memref_slice %arg25[%dma_start3A_579, %dma_start3A_580] : memref<10240x128xf32, #tpu.memory_space<vmem_shared>> -> memref<10240x128xf32, #tpu.memory_space<vmem_shared>>
      tpu.enqueue_indirect_dma source(%arg21 : memref<80x128xf32, #tpu.memory_space<vmem>>) target(%dma_start3A_581 : memref<10240x128xf32, #tpu.memory_space<vmem_shared>>) offsets(%arg17 : memref<80xi32, #tpu.memory_space<vmem>>) semaphore(%arg38 : memref<!tpu.dma_semaphore, #tpu.memory_space<semaphore_mem>>) {add = true}
      %dma_wait3A_582 = arith.constant 0 : i32
      %dma_wait3A_583 = arith.constant 0 : i32
      %dma_wait3A_584 = tpu.memref_slice %arg2[%dma_wait3A_582, %dma_wait3A_583] : memref<10000x128xf32, #tpu.memory_space<hbm>> -> memref<10000x128xf32, #tpu.memory_space<hbm>>
      tpu.wait_indirect_dma semaphore(%arg35 : memref<!tpu.dma_semaphore, #tpu.memory_space<semaphore_mem>>) src(%dma_wait3A_584 : memref<10000x128xf32, #tpu.memory_space<hbm>>) dst(%arg22 : memref<80x128xf32, #tpu.memory_space<vmem>>)
      %dma_start3A_585 = arith.constant 0 : i32
      %dma_start3A_586 = arith.constant 0 : i32
      %dma_start3A_587 = tpu.memref_slice %arg25[%dma_start3A_585, %dma_start3A_586] : memref<10240x128xf32, #tpu.memory_space<vmem_shared>> -> memref<10240x128xf32, #tpu.memory_space<vmem_shared>>
      tpu.enqueue_indirect_dma source(%arg22 : memref<80x128xf32, #tpu.memory_space<vmem>>) target(%dma_start3A_587 : memref<10240x128xf32, #tpu.memory_space<vmem_shared>>) offsets(%arg18 : memref<80xi32, #tpu.memory_space<vmem>>) semaphore(%arg39 : memref<!tpu.dma_semaphore, #tpu.memory_space<semaphore_mem>>) {add = true}
      %dma_wait3A_588 = arith.constant 0 : i32
      %dma_wait3A_589 = arith.constant 0 : i32
      %dma_wait3A_590 = tpu.memref_slice %arg2[%dma_wait3A_588, %dma_wait3A_589] : memref<10000x128xf32, #tpu.memory_space<hbm>> -> memref<10000x128xf32, #tpu.memory_space<hbm>>
      tpu.wait_indirect_dma semaphore(%arg36 : memref<!tpu.dma_semaphore, #tpu.memory_space<semaphore_mem>>) src(%dma_wait3A_590 : memref<10000x128xf32, #tpu.memory_space<hbm>>) dst(%arg23 : memref<80x128xf32, #tpu.memory_space<vmem>>)
      %dma_start3A_591 = arith.constant 0 : i32
      %dma_start3A_592 = arith.constant 0 : i32
      %dma_start3A_593 = tpu.memref_slice %arg25[%dma_start3A_591, %dma_start3A_592] : memref<10240x128xf32, #tpu.memory_space<vmem_shared>> -> memref<10240x128xf32, #tpu.memory_space<vmem_shared>>
      tpu.enqueue_indirect_dma source(%arg23 : memref<80x128xf32, #tpu.memory_space<vmem>>) target(%dma_start3A_593 : memref<10240x128xf32, #tpu.memory_space<vmem_shared>>) offsets(%arg19 : memref<80xi32, #tpu.memory_space<vmem>>) semaphore(%arg40 : memref<!tpu.dma_semaphore, #tpu.memory_space<semaphore_mem>>) {add = true}
      %dma_wait3A_594 = arith.constant 0 : i32
      %dma_wait3A_595 = arith.constant 0 : i32
      %dma_wait3A_596 = tpu.memref_slice %arg2[%dma_wait3A_594, %dma_wait3A_595] : memref<10000x128xf32, #tpu.memory_space<hbm>> -> memref<10000x128xf32, #tpu.memory_space<hbm>>
      tpu.wait_indirect_dma semaphore(%arg37 : memref<!tpu.dma_semaphore, #tpu.memory_space<semaphore_mem>>) src(%dma_wait3A_596 : memref<10000x128xf32, #tpu.memory_space<hbm>>) dst(%arg24 : memref<80x128xf32, #tpu.memory_space<vmem>>)
      %dma_start3A_597 = arith.constant 0 : i32
      %dma_start3A_598 = arith.constant 0 : i32
      %dma_start3A_599 = tpu.memref_slice %arg25[%dma_start3A_597, %dma_start3A_598] : memref<10240x128xf32, #tpu.memory_space<vmem_shared>> -> memref<10240x128xf32, #tpu.memory_space<vmem_shared>>
      tpu.enqueue_indirect_dma source(%arg24 : memref<80x128xf32, #tpu.memory_space<vmem>>) target(%dma_start3A_599 : memref<10240x128xf32, #tpu.memory_space<vmem_shared>>) offsets(%arg20 : memref<80xi32, #tpu.memory_space<vmem>>) semaphore(%arg41 : memref<!tpu.dma_semaphore, #tpu.memory_space<semaphore_mem>>) {add = true}
    }
    %scan3A_76 = arith.constant 15 : i32
    %dma_wait3A = arith.constant 0 : i32
    %dma_wait3A_77 = arith.constant 0 : i32
    %dma_wait3A_78 = tpu.memref_slice %arg25[%dma_wait3A, %dma_wait3A_77] : memref<10240x128xf32, #tpu.memory_space<vmem_shared>> -> memref<10240x128xf32, #tpu.memory_space<vmem_shared>>
    tpu.wait_indirect_dma semaphore(%arg38 : memref<!tpu.dma_semaphore, #tpu.memory_space<semaphore_mem>>) src(%arg21 : memref<80x128xf32, #tpu.memory_space<vmem>>) dst(%dma_wait3A_78 : memref<10240x128xf32, #tpu.memory_space<vmem_shared>>)
    %dma_wait3A_79 = arith.constant 0 : i32
    %dma_wait3A_80 = arith.constant 0 : i32
    %dma_wait3A_81 = tpu.memref_slice %arg25[%dma_wait3A_79, %dma_wait3A_80] : memref<10240x128xf32, #tpu.memory_space<vmem_shared>> -> memref<10240x128xf32, #tpu.memory_space<vmem_shared>>
    tpu.wait_indirect_dma semaphore(%arg39 : memref<!tpu.dma_semaphore, #tpu.memory_space<semaphore_mem>>) src(%arg22 : memref<80x128xf32, #tpu.memory_space<vmem>>) dst(%dma_wait3A_81 : memref<10240x128xf32, #tpu.memory_space<vmem_shared>>)
    %dma_wait3A_82 = arith.constant 0 : i32
    %dma_wait3A_83 = arith.constant 0 : i32
    %dma_wait3A_84 = tpu.memref_slice %arg25[%dma_wait3A_82, %dma_wait3A_83] : memref<10240x128xf32, #tpu.memory_space<vmem_shared>> -> memref<10240x128xf32, #tpu.memory_space<vmem_shared>>
    tpu.wait_indirect_dma semaphore(%arg40 : memref<!tpu.dma_semaphore, #tpu.memory_space<semaphore_mem>>) src(%arg23 : memref<80x128xf32, #tpu.memory_space<vmem>>) dst(%dma_wait3A_84 : memref<10240x128xf32, #tpu.memory_space<vmem_shared>>)
    %dma_wait3A_85 = arith.constant 0 : i32
    %dma_wait3A_86 = arith.constant 0 : i32
    %dma_wait3A_87 = tpu.memref_slice %arg25[%dma_wait3A_85, %dma_wait3A_86] : memref<10240x128xf32, #tpu.memory_space<vmem_shared>> -> memref<10240x128xf32, #tpu.memory_space<vmem_shared>>
    tpu.wait_indirect_dma semaphore(%arg41 : memref<!tpu.dma_semaphore, #tpu.memory_space<semaphore_mem>>) src(%arg24 : memref<80x128xf32, #tpu.memory_space<vmem>>) dst(%dma_wait3A_87 : memref<10240x128xf32, #tpu.memory_space<vmem_shared>>)
    %add3A_88 = arith.constant 9600 : i32
    %add3A_89 = arith.addi %mul3A_2, %add3A_88 : i32
    %dma_wait3A_90 = tpu.memref_slice %arg3[%add3A_89] : memref<640000xi32, #tpu.memory_space<hbm>> -> memref<80xi32, #tpu.memory_space<hbm>>
    %dma_wait3A_91 = tpu.memref_slice %arg3[%add3A_89] : memref<640000xi32, #tpu.memory_space<hbm>> -> memref<80xi32, #tpu.memory_space<hbm>>
    tpu.wait_dma2 semaphore(%arg26 : memref<!tpu.dma_semaphore, #tpu.memory_space<semaphore_mem>>) src(%dma_wait3A_91 : memref<80xi32, #tpu.memory_space<hbm>>) dst(%arg5 : memref<80xi32, #tpu.memory_space<vmem>>)
    %add3A_92 = arith.constant 320000 : i32
    %add3A_93 = arith.addi %add3A_92, %add3A_89 : i32
    %dma_wait3A_94 = tpu.memref_slice %arg3[%add3A_93] : memref<640000xi32, #tpu.memory_space<hbm>> -> memref<80xi32, #tpu.memory_space<hbm>>
    %dma_wait3A_95 = tpu.memref_slice %arg3[%add3A_93] : memref<640000xi32, #tpu.memory_space<hbm>> -> memref<80xi32, #tpu.memory_space<hbm>>
    tpu.wait_dma2 semaphore(%arg26 : memref<!tpu.dma_semaphore, #tpu.memory_space<semaphore_mem>>) src(%dma_wait3A_95 : memref<80xi32, #tpu.memory_space<hbm>>) dst(%arg13 : memref<80xi32, #tpu.memory_space<vmem>>)
    %dma_start3A_96 = arith.constant 0 : i32
    %dma_start3A_97 = arith.constant 0 : i32
    %dma_start3A_98 = tpu.memref_slice %arg2[%dma_start3A_96, %dma_start3A_97] : memref<10000x128xf32, #tpu.memory_space<hbm>> -> memref<10000x128xf32, #tpu.memory_space<hbm>>
    tpu.enqueue_indirect_dma source(%dma_start3A_98 : memref<10000x128xf32, #tpu.memory_space<hbm>>) target(%arg21 : memref<80x128xf32, #tpu.memory_space<vmem>>) offsets(%arg5 : memref<80xi32, #tpu.memory_space<vmem>>) semaphore(%arg34 : memref<!tpu.dma_semaphore, #tpu.memory_space<semaphore_mem>>)
    %add3A_99 = arith.constant 9680 : i32
    %add3A_100 = arith.addi %mul3A_2, %add3A_99 : i32
    %dma_wait3A_101 = tpu.memref_slice %arg3[%add3A_100] : memref<640000xi32, #tpu.memory_space<hbm>> -> memref<80xi32, #tpu.memory_space<hbm>>
    %dma_wait3A_102 = tpu.memref_slice %arg3[%add3A_100] : memref<640000xi32, #tpu.memory_space<hbm>> -> memref<80xi32, #tpu.memory_space<hbm>>
    tpu.wait_dma2 semaphore(%arg27 : memref<!tpu.dma_semaphore, #tpu.memory_space<semaphore_mem>>) src(%dma_wait3A_102 : memref<80xi32, #tpu.memory_space<hbm>>) dst(%arg6 : memref<80xi32, #tpu.memory_space<vmem>>)
    %add3A_103 = arith.constant 320000 : i32
    %add3A_104 = arith.addi %add3A_103, %add3A_100 : i32
    %dma_wait3A_105 = tpu.memref_slice %arg3[%add3A_104] : memref<640000xi32, #tpu.memory_space<hbm>> -> memref<80xi32, #tpu.memory_space<hbm>>
    %dma_wait3A_106 = tpu.memref_slice %arg3[%add3A_104] : memref<640000xi32, #tpu.memory_space<hbm>> -> memref<80xi32, #tpu.memory_space<hbm>>
    tpu.wait_dma2 semaphore(%arg27 : memref<!tpu.dma_semaphore, #tpu.memory_space<semaphore_mem>>) src(%dma_wait3A_106 : memref<80xi32, #tpu.memory_space<hbm>>) dst(%arg14 : memref<80xi32, #tpu.memory_space<vmem>>)
    %dma_start3A_107 = arith.constant 0 : i32
    %dma_start3A_108 = arith.constant 0 : i32
    %dma_start3A_109 = tpu.memref_slice %arg2[%dma_start3A_107, %dma_start3A_108] : memref<10000x128xf32, #tpu.memory_space<hbm>> -> memref<10000x128xf32, #tpu.memory_space<hbm>>
    tpu.enqueue_indirect_dma source(%dma_start3A_109 : memref<10000x128xf32, #tpu.memory_space<hbm>>) target(%arg22 : memref<80x128xf32, #tpu.memory_space<vmem>>) offsets(%arg6 : memref<80xi32, #tpu.memory_space<vmem>>) semaphore(%arg35 : memref<!tpu.dma_semaphore, #tpu.memory_space<semaphore_mem>>)
    %add3A_110 = arith.constant 9760 : i32
    %add3A_111 = arith.addi %mul3A_2, %add3A_110 : i32
    %dma_wait3A_112 = tpu.memref_slice %arg3[%add3A_111] : memref<640000xi32, #tpu.memory_space<hbm>> -> memref<80xi32, #tpu.memory_space<hbm>>
    %dma_wait3A_113 = tpu.memref_slice %arg3[%add3A_111] : memref<640000xi32, #tpu.memory_space<hbm>> -> memref<80xi32, #tpu.memory_space<hbm>>
    tpu.wait_dma2 semaphore(%arg28 : memref<!tpu.dma_semaphore, #tpu.memory_space<semaphore_mem>>) src(%dma_wait3A_113 : memref<80xi32, #tpu.memory_space<hbm>>) dst(%arg7 : memref<80xi32, #tpu.memory_space<vmem>>)
    %add3A_114 = arith.constant 320000 : i32
    %add3A_115 = arith.addi %add3A_114, %add3A_111 : i32
    %dma_wait3A_116 = tpu.memref_slice %arg3[%add3A_115] : memref<640000xi32, #tpu.memory_space<hbm>> -> memref<80xi32, #tpu.memory_space<hbm>>
    %dma_wait3A_117 = tpu.memref_slice %arg3[%add3A_115] : memref<640000xi32, #tpu.memory_space<hbm>> -> memref<80xi32, #tpu.memory_space<hbm>>
    tpu.wait_dma2 semaphore(%arg28 : memref<!tpu.dma_semaphore, #tpu.memory_space<semaphore_mem>>) src(%dma_wait3A_117 : memref<80xi32, #tpu.memory_space<hbm>>) dst(%arg15 : memref<80xi32, #tpu.memory_space<vmem>>)
    %dma_start3A_118 = arith.constant 0 : i32
    %dma_start3A_119 = arith.constant 0 : i32
    %dma_start3A_120 = tpu.memref_slice %arg2[%dma_start3A_118, %dma_start3A_119] : memref<10000x128xf32, #tpu.memory_space<hbm>> -> memref<10000x128xf32, #tpu.memory_space<hbm>>
    tpu.enqueue_indirect_dma source(%dma_start3A_120 : memref<10000x128xf32, #tpu.memory_space<hbm>>) target(%arg23 : memref<80x128xf32, #tpu.memory_space<vmem>>) offsets(%arg7 : memref<80xi32, #tpu.memory_space<vmem>>) semaphore(%arg36 : memref<!tpu.dma_semaphore, #tpu.memory_space<semaphore_mem>>)
    %add3A_121 = arith.constant 9840 : i32
    %add3A_122 = arith.addi %mul3A_2, %add3A_121 : i32
    %dma_wait3A_123 = tpu.memref_slice %arg3[%add3A_122] : memref<640000xi32, #tpu.memory_space<hbm>> -> memref<80xi32, #tpu.memory_space<hbm>>
    %dma_wait3A_124 = tpu.memref_slice %arg3[%add3A_122] : memref<640000xi32, #tpu.memory_space<hbm>> -> memref<80xi32, #tpu.memory_space<hbm>>
    tpu.wait_dma2 semaphore(%arg29 : memref<!tpu.dma_semaphore, #tpu.memory_space<semaphore_mem>>) src(%dma_wait3A_124 : memref<80xi32, #tpu.memory_space<hbm>>) dst(%arg8 : memref<80xi32, #tpu.memory_space<vmem>>)
    %add3A_125 = arith.constant 320000 : i32
    %add3A_126 = arith.addi %add3A_125, %add3A_122 : i32
    %dma_wait3A_127 = tpu.memref_slice %arg3[%add3A_126] : memref<640000xi32, #tpu.memory_space<hbm>> -> memref<80xi32, #tpu.memory_space<hbm>>
    %dma_wait3A_128 = tpu.memref_slice %arg3[%add3A_126] : memref<640000xi32, #tpu.memory_space<hbm>> -> memref<80xi32, #tpu.memory_space<hbm>>
    tpu.wait_dma2 semaphore(%arg29 : memref<!tpu.dma_semaphore, #tpu.memory_space<semaphore_mem>>) src(%dma_wait3A_128 : memref<80xi32, #tpu.memory_space<hbm>>) dst(%arg16 : memref<80xi32, #tpu.memory_space<vmem>>)
    %dma_start3A_129 = arith.constant 0 : i32
    %dma_start3A_130 = arith.constant 0 : i32
    %dma_start3A_131 = tpu.memref_slice %arg2[%dma_start3A_129, %dma_start3A_130] : memref<10000x128xf32, #tpu.memory_space<hbm>> -> memref<10000x128xf32, #tpu.memory_space<hbm>>
    tpu.enqueue_indirect_dma source(%dma_start3A_131 : memref<10000x128xf32, #tpu.memory_space<hbm>>) target(%arg24 : memref<80x128xf32, #tpu.memory_space<vmem>>) offsets(%arg8 : memref<80xi32, #tpu.memory_space<vmem>>) semaphore(%arg37 : memref<!tpu.dma_semaphore, #tpu.memory_space<semaphore_mem>>)
    %dma_wait3A_132 = arith.constant 0 : i32
    %dma_wait3A_133 = arith.constant 0 : i32
    %dma_wait3A_134 = tpu.memref_slice %arg2[%dma_wait3A_132, %dma_wait3A_133] : memref<10000x128xf32, #tpu.memory_space<hbm>> -> memref<10000x128xf32, #tpu.memory_space<hbm>>
    tpu.wait_indirect_dma semaphore(%arg34 : memref<!tpu.dma_semaphore, #tpu.memory_space<semaphore_mem>>) src(%dma_wait3A_134 : memref<10000x128xf32, #tpu.memory_space<hbm>>) dst(%arg21 : memref<80x128xf32, #tpu.memory_space<vmem>>)
    %dma_start3A_135 = arith.constant 0 : i32
    %dma_start3A_136 = arith.constant 0 : i32
    %dma_start3A_137 = tpu.memref_slice %arg25[%dma_start3A_135, %dma_start3A_136] : memref<10240x128xf32, #tpu.memory_space<vmem_shared>> -> memref<10240x128xf32, #tpu.memory_space<vmem_shared>>
    tpu.enqueue_indirect_dma source(%arg21 : memref<80x128xf32, #tpu.memory_space<vmem>>) target(%dma_start3A_137 : memref<10240x128xf32, #tpu.memory_space<vmem_shared>>) offsets(%arg13 : memref<80xi32, #tpu.memory_space<vmem>>) semaphore(%arg38 : memref<!tpu.dma_semaphore, #tpu.memory_space<semaphore_mem>>) {add = true}
    %dma_wait3A_138 = arith.constant 0 : i32
    %dma_wait3A_139 = arith.constant 0 : i32
    %dma_wait3A_140 = tpu.memref_slice %arg2[%dma_wait3A_138, %dma_wait3A_139] : memref<10000x128xf32, #tpu.memory_space<hbm>> -> memref<10000x128xf32, #tpu.memory_space<hbm>>
    tpu.wait_indirect_dma semaphore(%arg35 : memref<!tpu.dma_semaphore, #tpu.memory_space<semaphore_mem>>) src(%dma_wait3A_140 : memref<10000x128xf32, #tpu.memory_space<hbm>>) dst(%arg22 : memref<80x128xf32, #tpu.memory_space<vmem>>)
    %dma_start3A_141 = arith.constant 0 : i32
    %dma_start3A_142 = arith.constant 0 : i32
    %dma_start3A_143 = tpu.memref_slice %arg25[%dma_start3A_141, %dma_start3A_142] : memref<10240x128xf32, #tpu.memory_space<vmem_shared>> -> memref<10240x128xf32, #tpu.memory_space<vmem_shared>>
    tpu.enqueue_indirect_dma source(%arg22 : memref<80x128xf32, #tpu.memory_space<vmem>>) target(%dma_start3A_143 : memref<10240x128xf32, #tpu.memory_space<vmem_shared>>) offsets(%arg14 : memref<80xi32, #tpu.memory_space<vmem>>) semaphore(%arg39 : memref<!tpu.dma_semaphore, #tpu.memory_space<semaphore_mem>>) {add = true}
    %dma_wait3A_144 = arith.constant 0 : i32
    %dma_wait3A_145 = arith.constant 0 : i32
    %dma_wait3A_146 = tpu.memref_slice %arg2[%dma_wait3A_144, %dma_wait3A_145] : memref<10000x128xf32, #tpu.memory_space<hbm>> -> memref<10000x128xf32, #tpu.memory_space<hbm>>
    tpu.wait_indirect_dma semaphore(%arg36 : memref<!tpu.dma_semaphore, #tpu.memory_space<semaphore_mem>>) src(%dma_wait3A_146 : memref<10000x128xf32, #tpu.memory_space<hbm>>) dst(%arg23 : memref<80x128xf32, #tpu.memory_space<vmem>>)
    %dma_start3A_147 = arith.constant 0 : i32
    %dma_start3A_148 = arith.constant 0 : i32
    %dma_start3A_149 = tpu.memref_slice %arg25[%dma_start3A_147, %dma_start3A_148] : memref<10240x128xf32, #tpu.memory_space<vmem_shared>> -> memref<10240x128xf32, #tpu.memory_space<vmem_shared>>
    tpu.enqueue_indirect_dma source(%arg23 : memref<80x128xf32, #tpu.memory_space<vmem>>) target(%dma_start3A_149 : memref<10240x128xf32, #tpu.memory_space<vmem_shared>>) offsets(%arg15 : memref<80xi32, #tpu.memory_space<vmem>>) semaphore(%arg40 : memref<!tpu.dma_semaphore, #tpu.memory_space<semaphore_mem>>) {add = true}
    %dma_wait3A_150 = arith.constant 0 : i32
    %dma_wait3A_151 = arith.constant 0 : i32
    %dma_wait3A_152 = tpu.memref_slice %arg2[%dma_wait3A_150, %dma_wait3A_151] : memref<10000x128xf32, #tpu.memory_space<hbm>> -> memref<10000x128xf32, #tpu.memory_space<hbm>>
    tpu.wait_indirect_dma semaphore(%arg37 : memref<!tpu.dma_semaphore, #tpu.memory_space<semaphore_mem>>) src(%dma_wait3A_152 : memref<10000x128xf32, #tpu.memory_space<hbm>>) dst(%arg24 : memref<80x128xf32, #tpu.memory_space<vmem>>)
    %dma_start3A_153 = arith.constant 0 : i32
    %dma_start3A_154 = arith.constant 0 : i32
    %dma_start3A_155 = tpu.memref_slice %arg25[%dma_start3A_153, %dma_start3A_154] : memref<10240x128xf32, #tpu.memory_space<vmem_shared>> -> memref<10240x128xf32, #tpu.memory_space<vmem_shared>>
    tpu.enqueue_indirect_dma source(%arg24 : memref<80x128xf32, #tpu.memory_space<vmem>>) target(%dma_start3A_155 : memref<10240x128xf32, #tpu.memory_space<vmem_shared>>) offsets(%arg16 : memref<80xi32, #tpu.memory_space<vmem>>) semaphore(%arg41 : memref<!tpu.dma_semaphore, #tpu.memory_space<semaphore_mem>>) {add = true}
    %dma_wait3A_156 = arith.constant 0 : i32
    %dma_wait3A_157 = arith.constant 0 : i32
    %dma_wait3A_158 = tpu.memref_slice %arg25[%dma_wait3A_156, %dma_wait3A_157] : memref<10240x128xf32, #tpu.memory_space<vmem_shared>> -> memref<10240x128xf32, #tpu.memory_space<vmem_shared>>
    tpu.wait_indirect_dma semaphore(%arg38 : memref<!tpu.dma_semaphore, #tpu.memory_space<semaphore_mem>>) src(%arg21 : memref<80x128xf32, #tpu.memory_space<vmem>>) dst(%dma_wait3A_158 : memref<10240x128xf32, #tpu.memory_space<vmem_shared>>)
    %dma_wait3A_159 = arith.constant 0 : i32
    %dma_wait3A_160 = arith.constant 0 : i32
    %dma_wait3A_161 = tpu.memref_slice %arg25[%dma_wait3A_159, %dma_wait3A_160] : memref<10240x128xf32, #tpu.memory_space<vmem_shared>> -> memref<10240x128xf32, #tpu.memory_space<vmem_shared>>
    tpu.wait_indirect_dma semaphore(%arg39 : memref<!tpu.dma_semaphore, #tpu.memory_space<semaphore_mem>>) src(%arg22 : memref<80x128xf32, #tpu.memory_space<vmem>>) dst(%dma_wait3A_161 : memref<10240x128xf32, #tpu.memory_space<vmem_shared>>)
    %dma_wait3A_162 = arith.constant 0 : i32
    %dma_wait3A_163 = arith.constant 0 : i32
    %dma_wait3A_164 = tpu.memref_slice %arg25[%dma_wait3A_162, %dma_wait3A_163] : memref<10240x128xf32, #tpu.memory_space<vmem_shared>> -> memref<10240x128xf32, #tpu.memory_space<vmem_shared>>
    tpu.wait_indirect_dma semaphore(%arg40 : memref<!tpu.dma_semaphore, #tpu.memory_space<semaphore_mem>>) src(%arg23 : memref<80x128xf32, #tpu.memory_space<vmem>>) dst(%dma_wait3A_164 : memref<10240x128xf32, #tpu.memory_space<vmem_shared>>)
    %dma_wait3A_165 = arith.constant 0 : i32
    %dma_wait3A_166 = arith.constant 0 : i32
    %dma_wait3A_167 = tpu.memref_slice %arg25[%dma_wait3A_165, %dma_wait3A_166] : memref<10240x128xf32, #tpu.memory_space<vmem_shared>> -> memref<10240x128xf32, #tpu.memory_space<vmem_shared>>
    tpu.wait_indirect_dma semaphore(%arg41 : memref<!tpu.dma_semaphore, #tpu.memory_space<semaphore_mem>>) src(%arg24 : memref<80x128xf32, #tpu.memory_space<vmem>>) dst(%dma_wait3A_167 : memref<10240x128xf32, #tpu.memory_space<vmem_shared>>)
    %add3A_168 = arith.constant 9920 : i32
    %add3A_169 = arith.addi %mul3A_2, %add3A_168 : i32
    "tpu.region"() ({
      %run_scoped3A = tpu.sem_alloc : memref<!tpu.dma_semaphore, #tpu.memory_space<semaphore_mem>>
      %dma_start3A_285 = tpu.memref_slice %arg3[%add3A_169] : memref<640000xi32, #tpu.memory_space<hbm>> -> memref<80xi32, #tpu.memory_space<hbm>>
      %dma_start3A_286 = tpu.memref_slice %arg3[%add3A_169] : memref<640000xi32, #tpu.memory_space<hbm>> -> memref<80xi32, #tpu.memory_space<hbm>>
      tpu.enqueue_dma source(%dma_start3A_286 : memref<80xi32, #tpu.memory_space<hbm>>) target(%arg5 : memref<80xi32, #tpu.memory_space<vmem>>) target_semaphore(%run_scoped3A : memref<!tpu.dma_semaphore, #tpu.memory_space<semaphore_mem>>)
      %dma_wait3A_287 = tpu.memref_slice %arg3[%add3A_169] : memref<640000xi32, #tpu.memory_space<hbm>> -> memref<80xi32, #tpu.memory_space<hbm>>
      %dma_wait3A_288 = tpu.memref_slice %arg3[%add3A_169] : memref<640000xi32, #tpu.memory_space<hbm>> -> memref<80xi32, #tpu.memory_space<hbm>>
      tpu.wait_dma2 semaphore(%run_scoped3A : memref<!tpu.dma_semaphore, #tpu.memory_space<semaphore_mem>>) src(%dma_wait3A_288 : memref<80xi32, #tpu.memory_space<hbm>>) dst(%arg5 : memref<80xi32, #tpu.memory_space<vmem>>)
      tpu.yield
    }) : () -> ()
    %add3A_170 = arith.constant 320000 : i32
    %add3A_171 = arith.addi %add3A_170, %add3A_169 : i32
    "tpu.region"() ({
      %run_scoped3A = tpu.sem_alloc : memref<!tpu.dma_semaphore, #tpu.memory_space<semaphore_mem>>
      %dma_start3A_285 = tpu.memref_slice %arg3[%add3A_171] : memref<640000xi32, #tpu.memory_space<hbm>> -> memref<80xi32, #tpu.memory_space<hbm>>
      %dma_start3A_286 = tpu.memref_slice %arg3[%add3A_171] : memref<640000xi32, #tpu.memory_space<hbm>> -> memref<80xi32, #tpu.memory_space<hbm>>
      tpu.enqueue_dma source(%dma_start3A_286 : memref<80xi32, #tpu.memory_space<hbm>>) target(%arg13 : memref<80xi32, #tpu.memory_space<vmem>>) target_semaphore(%run_scoped3A : memref<!tpu.dma_semaphore, #tpu.memory_space<semaphore_mem>>)
      %dma_wait3A_287 = tpu.memref_slice %arg3[%add3A_171] : memref<640000xi32, #tpu.memory_space<hbm>> -> memref<80xi32, #tpu.memory_space<hbm>>
      %dma_wait3A_288 = tpu.memref_slice %arg3[%add3A_171] : memref<640000xi32, #tpu.memory_space<hbm>> -> memref<80xi32, #tpu.memory_space<hbm>>
      tpu.wait_dma2 semaphore(%run_scoped3A : memref<!tpu.dma_semaphore, #tpu.memory_space<semaphore_mem>>) src(%dma_wait3A_288 : memref<80xi32, #tpu.memory_space<hbm>>) dst(%arg13 : memref<80xi32, #tpu.memory_space<vmem>>)
      tpu.yield
    }) : () -> ()
    "tpu.region"() ({
      %run_scoped3A = tpu.sem_alloc : memref<!tpu.dma_semaphore, #tpu.memory_space<semaphore_mem>>
      %dma_start3A_285 = arith.constant 0 : i32
      %dma_start3A_286 = arith.constant 0 : i32
      %dma_start3A_287 = tpu.memref_slice %arg2[%dma_start3A_285, %dma_start3A_286] : memref<10000x128xf32, #tpu.memory_space<hbm>> -> memref<10000x128xf32, #tpu.memory_space<hbm>>
      tpu.enqueue_indirect_dma source(%dma_start3A_287 : memref<10000x128xf32, #tpu.memory_space<hbm>>) target(%arg21 : memref<80x128xf32, #tpu.memory_space<vmem>>) offsets(%arg5 : memref<80xi32, #tpu.memory_space<vmem>>) semaphore(%run_scoped3A : memref<!tpu.dma_semaphore, #tpu.memory_space<semaphore_mem>>)
      %dma_wait3A_288 = arith.constant 0 : i32
      %dma_wait3A_289 = arith.constant 0 : i32
      %dma_wait3A_290 = tpu.memref_slice %arg2[%dma_wait3A_288, %dma_wait3A_289] : memref<10000x128xf32, #tpu.memory_space<hbm>> -> memref<10000x128xf32, #tpu.memory_space<hbm>>
      tpu.wait_indirect_dma semaphore(%run_scoped3A : memref<!tpu.dma_semaphore, #tpu.memory_space<semaphore_mem>>) src(%dma_wait3A_290 : memref<10000x128xf32, #tpu.memory_space<hbm>>) dst(%arg21 : memref<80x128xf32, #tpu.memory_space<vmem>>)
      tpu.yield
    }) : () -> ()
    "tpu.region"() ({
      %run_scoped3A = tpu.sem_alloc : memref<!tpu.dma_semaphore, #tpu.memory_space<semaphore_mem>>
      %dma_start3A_285 = arith.constant 0 : i32
      %dma_start3A_286 = arith.constant 0 : i32
      %dma_start3A_287 = tpu.memref_slice %arg25[%dma_start3A_285, %dma_start3A_286] : memref<10240x128xf32, #tpu.memory_space<vmem_shared>> -> memref<10240x128xf32, #tpu.memory_space<vmem_shared>>
      tpu.enqueue_indirect_dma source(%arg21 : memref<80x128xf32, #tpu.memory_space<vmem>>) target(%dma_start3A_287 : memref<10240x128xf32, #tpu.memory_space<vmem_shared>>) offsets(%arg13 : memref<80xi32, #tpu.memory_space<vmem>>) semaphore(%run_scoped3A : memref<!tpu.dma_semaphore, #tpu.memory_space<semaphore_mem>>) {add = true}
      %dma_wait3A_288 = arith.constant 0 : i32
      %dma_wait3A_289 = arith.constant 0 : i32
      %dma_wait3A_290 = tpu.memref_slice %arg25[%dma_wait3A_288, %dma_wait3A_289] : memref<10240x128xf32, #tpu.memory_space<vmem_shared>> -> memref<10240x128xf32, #tpu.memory_space<vmem_shared>>
      tpu.wait_indirect_dma semaphore(%run_scoped3A : memref<!tpu.dma_semaphore, #tpu.memory_space<semaphore_mem>>) src(%arg21 : memref<80x128xf32, #tpu.memory_space<vmem>>) dst(%dma_wait3A_290 : memref<10240x128xf32, #tpu.memory_space<vmem_shared>>)
      tpu.yield
    }) : () -> ()
    %barrier3A_172 = arith.constant 0 : index
    tpu.barrier barrier_id(%barrier3A_172)
    %mul3A_173 = arith.constant 640 : i32
    %mul3A_174 = arith.muli %arg1, %mul3A_173 : i32
    %add3A_175 = arith.constant 0 : i32
    %add3A_176 = arith.addi %mul3A_174, %add3A_175 : i32
    %dma_start3A_177 = arith.constant 0 : i32
    %dma_start3A_178 = tpu.memref_slice %arg4[%arg0, %add3A_176, %dma_start3A_177] : memref<2x10240x128xf32, #tpu.memory_space<hbm>> -> memref<1x80x128xf32, #tpu.memory_space<hbm>>
    %dma_start3A_179 = tpu.memref_squeeze %dma_start3A_178 : memref<1x80x128xf32, #tpu.memory_space<hbm>> -> memref<80x128xf32, #tpu.memory_space<hbm>>
    %dma_start3A_180 = arith.constant 0 : i32
    %dma_start3A_181 = tpu.memref_slice %arg25[%add3A_176, %dma_start3A_180] : memref<10240x128xf32, #tpu.memory_space<vmem_shared>> -> memref<80x128xf32, #tpu.memory_space<vmem_shared>>
    tpu.enqueue_dma source(%dma_start3A_181 : memref<80x128xf32, #tpu.memory_space<vmem_shared>>) target(%dma_start3A_179 : memref<80x128xf32, #tpu.memory_space<hbm>>) target_semaphore(%arg34 : memref<!tpu.dma_semaphore, #tpu.memory_space<semaphore_mem>>)
    %mul3A_182 = arith.constant 640 : i32
    %mul3A_183 = arith.muli %arg1, %mul3A_182 : i32
    %add3A_184 = arith.constant 80 : i32
    %add3A_185 = arith.addi %mul3A_183, %add3A_184 : i32
    %dma_start3A_186 = arith.constant 0 : i32
    %dma_start3A_187 = tpu.memref_slice %arg4[%arg0, %add3A_185, %dma_start3A_186] : memref<2x10240x128xf32, #tpu.memory_space<hbm>> -> memref<1x80x128xf32, #tpu.memory_space<hbm>>
    %dma_start3A_188 = tpu.memref_squeeze %dma_start3A_187 : memref<1x80x128xf32, #tpu.memory_space<hbm>> -> memref<80x128xf32, #tpu.memory_space<hbm>>
    %dma_start3A_189 = arith.constant 0 : i32
    %dma_start3A_190 = tpu.memref_slice %arg25[%add3A_185, %dma_start3A_189] : memref<10240x128xf32, #tpu.memory_space<vmem_shared>> -> memref<80x128xf32, #tpu.memory_space<vmem_shared>>
    tpu.enqueue_dma source(%dma_start3A_190 : memref<80x128xf32, #tpu.memory_space<vmem_shared>>) target(%dma_start3A_188 : memref<80x128xf32, #tpu.memory_space<hbm>>) target_semaphore(%arg35 : memref<!tpu.dma_semaphore, #tpu.memory_space<semaphore_mem>>)
    %mul3A_191 = arith.constant 640 : i32
    %mul3A_192 = arith.muli %arg1, %mul3A_191 : i32
    %add3A_193 = arith.constant 160 : i32
    %add3A_194 = arith.addi %mul3A_192, %add3A_193 : i32
    %dma_start3A_195 = arith.constant 0 : i32
    %dma_start3A_196 = tpu.memref_slice %arg4[%arg0, %add3A_194, %dma_start3A_195] : memref<2x10240x128xf32, #tpu.memory_space<hbm>> -> memref<1x80x128xf32, #tpu.memory_space<hbm>>
    %dma_start3A_197 = tpu.memref_squeeze %dma_start3A_196 : memref<1x80x128xf32, #tpu.memory_space<hbm>> -> memref<80x128xf32, #tpu.memory_space<hbm>>
    %dma_start3A_198 = arith.constant 0 : i32
    %dma_start3A_199 = tpu.memref_slice %arg25[%add3A_194, %dma_start3A_198] : memref<10240x128xf32, #tpu.memory_space<vmem_shared>> -> memref<80x128xf32, #tpu.memory_space<vmem_shared>>
    tpu.enqueue_dma source(%dma_start3A_199 : memref<80x128xf32, #tpu.memory_space<vmem_shared>>) target(%dma_start3A_197 : memref<80x128xf32, #tpu.memory_space<hbm>>) target_semaphore(%arg36 : memref<!tpu.dma_semaphore, #tpu.memory_space<semaphore_mem>>)
    %mul3A_200 = arith.constant 640 : i32
    %mul3A_201 = arith.muli %arg1, %mul3A_200 : i32
    %add3A_202 = arith.constant 240 : i32
    %add3A_203 = arith.addi %mul3A_201, %add3A_202 : i32
    %dma_start3A_204 = arith.constant 0 : i32
    %dma_start3A_205 = tpu.memref_slice %arg4[%arg0, %add3A_203, %dma_start3A_204] : memref<2x10240x128xf32, #tpu.memory_space<hbm>> -> memref<1x80x128xf32, #tpu.memory_space<hbm>>
    %dma_start3A_206 = tpu.memref_squeeze %dma_start3A_205 : memref<1x80x128xf32, #tpu.memory_space<hbm>> -> memref<80x128xf32, #tpu.memory_space<hbm>>
    %dma_start3A_207 = arith.constant 0 : i32
    %dma_start3A_208 = tpu.memref_slice %arg25[%add3A_203, %dma_start3A_207] : memref<10240x128xf32, #tpu.memory_space<vmem_shared>> -> memref<80x128xf32, #tpu.memory_space<vmem_shared>>
    tpu.enqueue_dma source(%dma_start3A_208 : memref<80x128xf32, #tpu.memory_space<vmem_shared>>) target(%dma_start3A_206 : memref<80x128xf32, #tpu.memory_space<hbm>>) target_semaphore(%arg37 : memref<!tpu.dma_semaphore, #tpu.memory_space<semaphore_mem>>)
    %mul3A_209 = arith.constant 640 : i32
    %mul3A_210 = arith.muli %arg1, %mul3A_209 : i32
    %add3A_211 = arith.constant 320 : i32
    %add3A_212 = arith.addi %mul3A_210, %add3A_211 : i32
    %dma_start3A_213 = arith.constant 0 : i32
    %dma_start3A_214 = tpu.memref_slice %arg4[%arg0, %add3A_212, %dma_start3A_213] : memref<2x10240x128xf32, #tpu.memory_space<hbm>> -> memref<1x80x128xf32, #tpu.memory_space<hbm>>
    %dma_start3A_215 = tpu.memref_squeeze %dma_start3A_214 : memref<1x80x128xf32, #tpu.memory_space<hbm>> -> memref<80x128xf32, #tpu.memory_space<hbm>>
    %dma_start3A_216 = arith.constant 0 : i32
    %dma_start3A_217 = tpu.memref_slice %arg25[%add3A_212, %dma_start3A_216] : memref<10240x128xf32, #tpu.memory_space<vmem_shared>> -> memref<80x128xf32, #tpu.memory_space<vmem_shared>>
    tpu.enqueue_dma source(%dma_start3A_217 : memref<80x128xf32, #tpu.memory_space<vmem_shared>>) target(%dma_start3A_215 : memref<80x128xf32, #tpu.memory_space<hbm>>) target_semaphore(%arg34 : memref<!tpu.dma_semaphore, #tpu.memory_space<semaphore_mem>>)
    %mul3A_218 = arith.constant 640 : i32
    %mul3A_219 = arith.muli %arg1, %mul3A_218 : i32
    %add3A_220 = arith.constant 400 : i32
    %add3A_221 = arith.addi %mul3A_219, %add3A_220 : i32
    %dma_start3A_222 = arith.constant 0 : i32
    %dma_start3A_223 = tpu.memref_slice %arg4[%arg0, %add3A_221, %dma_start3A_222] : memref<2x10240x128xf32, #tpu.memory_space<hbm>> -> memref<1x80x128xf32, #tpu.memory_space<hbm>>
    %dma_start3A_224 = tpu.memref_squeeze %dma_start3A_223 : memref<1x80x128xf32, #tpu.memory_space<hbm>> -> memref<80x128xf32, #tpu.memory_space<hbm>>
    %dma_start3A_225 = arith.constant 0 : i32
    %dma_start3A_226 = tpu.memref_slice %arg25[%add3A_221, %dma_start3A_225] : memref<10240x128xf32, #tpu.memory_space<vmem_shared>> -> memref<80x128xf32, #tpu.memory_space<vmem_shared>>
    tpu.enqueue_dma source(%dma_start3A_226 : memref<80x128xf32, #tpu.memory_space<vmem_shared>>) target(%dma_start3A_224 : memref<80x128xf32, #tpu.memory_space<hbm>>) target_semaphore(%arg35 : memref<!tpu.dma_semaphore, #tpu.memory_space<semaphore_mem>>)
    %mul3A_227 = arith.constant 640 : i32
    %mul3A_228 = arith.muli %arg1, %mul3A_227 : i32
    %add3A_229 = arith.constant 480 : i32
    %add3A_230 = arith.addi %mul3A_228, %add3A_229 : i32
    %dma_start3A_231 = arith.constant 0 : i32
    %dma_start3A_232 = tpu.memref_slice %arg4[%arg0, %add3A_230, %dma_start3A_231] : memref<2x10240x128xf32, #tpu.memory_space<hbm>> -> memref<1x80x128xf32, #tpu.memory_space<hbm>>
    %dma_start3A_233 = tpu.memref_squeeze %dma_start3A_232 : memref<1x80x128xf32, #tpu.memory_space<hbm>> -> memref<80x128xf32, #tpu.memory_space<hbm>>
    %dma_start3A_234 = arith.constant 0 : i32
    %dma_start3A_235 = tpu.memref_slice %arg25[%add3A_230, %dma_start3A_234] : memref<10240x128xf32, #tpu.memory_space<vmem_shared>> -> memref<80x128xf32, #tpu.memory_space<vmem_shared>>
    tpu.enqueue_dma source(%dma_start3A_235 : memref<80x128xf32, #tpu.memory_space<vmem_shared>>) target(%dma_start3A_233 : memref<80x128xf32, #tpu.memory_space<hbm>>) target_semaphore(%arg36 : memref<!tpu.dma_semaphore, #tpu.memory_space<semaphore_mem>>)
    %mul3A_236 = arith.constant 640 : i32
    %mul3A_237 = arith.muli %arg1, %mul3A_236 : i32
    %add3A_238 = arith.constant 560 : i32
    %add3A_239 = arith.addi %mul3A_237, %add3A_238 : i32
    %dma_start3A_240 = arith.constant 0 : i32
    %dma_start3A_241 = tpu.memref_slice %arg4[%arg0, %add3A_239, %dma_start3A_240] : memref<2x10240x128xf32, #tpu.memory_space<hbm>> -> memref<1x80x128xf32, #tpu.memory_space<hbm>>
    %dma_start3A_242 = tpu.memref_squeeze %dma_start3A_241 : memref<1x80x128xf32, #tpu.memory_space<hbm>> -> memref<80x128xf32, #tpu.memory_space<hbm>>
    %dma_start3A_243 = arith.constant 0 : i32
    %dma_start3A_244 = tpu.memref_slice %arg25[%add3A_239, %dma_start3A_243] : memref<10240x128xf32, #tpu.memory_space<vmem_shared>> -> memref<80x128xf32, #tpu.memory_space<vmem_shared>>
    tpu.enqueue_dma source(%dma_start3A_244 : memref<80x128xf32, #tpu.memory_space<vmem_shared>>) target(%dma_start3A_242 : memref<80x128xf32, #tpu.memory_space<hbm>>) target_semaphore(%arg37 : memref<!tpu.dma_semaphore, #tpu.memory_space<semaphore_mem>>)
    %dma_wait3A_245 = arith.constant 0 : i32
    %dma_wait3A_246 = tpu.memref_slice %arg4[%arg0, %add3A_176, %dma_wait3A_245] : memref<2x10240x128xf32, #tpu.memory_space<hbm>> -> memref<1x80x128xf32, #tpu.memory_space<hbm>>
    %dma_wait3A_247 = tpu.memref_squeeze %dma_wait3A_246 : memref<1x80x128xf32, #tpu.memory_space<hbm>> -> memref<80x128xf32, #tpu.memory_space<hbm>>
    %dma_wait3A_248 = arith.constant 0 : i32
    %dma_wait3A_249 = tpu.memref_slice %arg25[%add3A_176, %dma_wait3A_248] : memref<10240x128xf32, #tpu.memory_space<vmem_shared>> -> memref<80x128xf32, #tpu.memory_space<vmem_shared>>
    tpu.wait_dma2 semaphore(%arg34 : memref<!tpu.dma_semaphore, #tpu.memory_space<semaphore_mem>>) src(%dma_wait3A_249 : memref<80x128xf32, #tpu.memory_space<vmem_shared>>) dst(%dma_wait3A_247 : memref<80x128xf32, #tpu.memory_space<hbm>>)
    %dma_wait3A_250 = arith.constant 0 : i32
    %dma_wait3A_251 = tpu.memref_slice %arg4[%arg0, %add3A_185, %dma_wait3A_250] : memref<2x10240x128xf32, #tpu.memory_space<hbm>> -> memref<1x80x128xf32, #tpu.memory_space<hbm>>
    %dma_wait3A_252 = tpu.memref_squeeze %dma_wait3A_251 : memref<1x80x128xf32, #tpu.memory_space<hbm>> -> memref<80x128xf32, #tpu.memory_space<hbm>>
    %dma_wait3A_253 = arith.constant 0 : i32
    %dma_wait3A_254 = tpu.memref_slice %arg25[%add3A_185, %dma_wait3A_253] : memref<10240x128xf32, #tpu.memory_space<vmem_shared>> -> memref<80x128xf32, #tpu.memory_space<vmem_shared>>
    tpu.wait_dma2 semaphore(%arg35 : memref<!tpu.dma_semaphore, #tpu.memory_space<semaphore_mem>>) src(%dma_wait3A_254 : memref<80x128xf32, #tpu.memory_space<vmem_shared>>) dst(%dma_wait3A_252 : memref<80x128xf32, #tpu.memory_space<hbm>>)
    %dma_wait3A_255 = arith.constant 0 : i32
    %dma_wait3A_256 = tpu.memref_slice %arg4[%arg0, %add3A_194, %dma_wait3A_255] : memref<2x10240x128xf32, #tpu.memory_space<hbm>> -> memref<1x80x128xf32, #tpu.memory_space<hbm>>
    %dma_wait3A_257 = tpu.memref_squeeze %dma_wait3A_256 : memref<1x80x128xf32, #tpu.memory_space<hbm>> -> memref<80x128xf32, #tpu.memory_space<hbm>>
    %dma_wait3A_258 = arith.constant 0 : i32
    %dma_wait3A_259 = tpu.memref_slice %arg25[%add3A_194, %dma_wait3A_258] : memref<10240x128xf32, #tpu.memory_space<vmem_shared>> -> memref<80x128xf32, #tpu.memory_space<vmem_shared>>
    tpu.wait_dma2 semaphore(%arg36 : memref<!tpu.dma_semaphore, #tpu.memory_space<semaphore_mem>>) src(%dma_wait3A_259 : memref<80x128xf32, #tpu.memory_space<vmem_shared>>) dst(%dma_wait3A_257 : memref<80x128xf32, #tpu.memory_space<hbm>>)
    %dma_wait3A_260 = arith.constant 0 : i32
    %dma_wait3A_261 = tpu.memref_slice %arg4[%arg0, %add3A_203, %dma_wait3A_260] : memref<2x10240x128xf32, #tpu.memory_space<hbm>> -> memref<1x80x128xf32, #tpu.memory_space<hbm>>
    %dma_wait3A_262 = tpu.memref_squeeze %dma_wait3A_261 : memref<1x80x128xf32, #tpu.memory_space<hbm>> -> memref<80x128xf32, #tpu.memory_space<hbm>>
    %dma_wait3A_263 = arith.constant 0 : i32
    %dma_wait3A_264 = tpu.memref_slice %arg25[%add3A_203, %dma_wait3A_263] : memref<10240x128xf32, #tpu.memory_space<vmem_shared>> -> memref<80x128xf32, #tpu.memory_space<vmem_shared>>
    tpu.wait_dma2 semaphore(%arg37 : memref<!tpu.dma_semaphore, #tpu.memory_space<semaphore_mem>>) src(%dma_wait3A_264 : memref<80x128xf32, #tpu.memory_space<vmem_shared>>) dst(%dma_wait3A_262 : memref<80x128xf32, #tpu.memory_space<hbm>>)
    %dma_wait3A_265 = arith.constant 0 : i32
    %dma_wait3A_266 = tpu.memref_slice %arg4[%arg0, %add3A_212, %dma_wait3A_265] : memref<2x10240x128xf32, #tpu.memory_space<hbm>> -> memref<1x80x128xf32, #tpu.memory_space<hbm>>
    %dma_wait3A_267 = tpu.memref_squeeze %dma_wait3A_266 : memref<1x80x128xf32, #tpu.memory_space<hbm>> -> memref<80x128xf32, #tpu.memory_space<hbm>>
    %dma_wait3A_268 = arith.constant 0 : i32
    %dma_wait3A_269 = tpu.memref_slice %arg25[%add3A_212, %dma_wait3A_268] : memref<10240x128xf32, #tpu.memory_space<vmem_shared>> -> memref<80x128xf32, #tpu.memory_space<vmem_shared>>
    tpu.wait_dma2 semaphore(%arg34 : memref<!tpu.dma_semaphore, #tpu.memory_space<semaphore_mem>>) src(%dma_wait3A_269 : memref<80x128xf32, #tpu.memory_space<vmem_shared>>) dst(%dma_wait3A_267 : memref<80x128xf32, #tpu.memory_space<hbm>>)
    %dma_wait3A_270 = arith.constant 0 : i32
    %dma_wait3A_271 = tpu.memref_slice %arg4[%arg0, %add3A_221, %dma_wait3A_270] : memref<2x10240x128xf32, #tpu.memory_space<hbm>> -> memref<1x80x128xf32, #tpu.memory_space<hbm>>
    %dma_wait3A_272 = tpu.memref_squeeze %dma_wait3A_271 : memref<1x80x128xf32, #tpu.memory_space<hbm>> -> memref<80x128xf32, #tpu.memory_space<hbm>>
    %dma_wait3A_273 = arith.constant 0 : i32
    %dma_wait3A_274 = tpu.memref_slice %arg25[%add3A_221, %dma_wait3A_273] : memref<10240x128xf32, #tpu.memory_space<vmem_shared>> -> memref<80x128xf32, #tpu.memory_space<vmem_shared>>
    tpu.wait_dma2 semaphore(%arg35 : memref<!tpu.dma_semaphore, #tpu.memory_space<semaphore_mem>>) src(%dma_wait3A_274 : memref<80x128xf32, #tpu.memory_space<vmem_shared>>) dst(%dma_wait3A_272 : memref<80x128xf32, #tpu.memory_space<hbm>>)
    %dma_wait3A_275 = arith.constant 0 : i32
    %dma_wait3A_276 = tpu.memref_slice %arg4[%arg0, %add3A_230, %dma_wait3A_275] : memref<2x10240x128xf32, #tpu.memory_space<hbm>> -> memref<1x80x128xf32, #tpu.memory_space<hbm>>
    %dma_wait3A_277 = tpu.memref_squeeze %dma_wait3A_276 : memref<1x80x128xf32, #tpu.memory_space<hbm>> -> memref<80x128xf32, #tpu.memory_space<hbm>>
    %dma_wait3A_278 = arith.constant 0 : i32
    %dma_wait3A_279 = tpu.memref_slice %arg25[%add3A_230, %dma_wait3A_278] : memref<10240x128xf32, #tpu.memory_space<vmem_shared>> -> memref<80x128xf32, #tpu.memory_space<vmem_shared>>
    tpu.wait_dma2 semaphore(%arg36 : memref<!tpu.dma_semaphore, #tpu.memory_space<semaphore_mem>>) src(%dma_wait3A_279 : memref<80x128xf32, #tpu.memory_space<vmem_shared>>) dst(%dma_wait3A_277 : memref<80x128xf32, #tpu.memory_space<hbm>>)
    %dma_wait3A_280 = arith.constant 0 : i32
    %dma_wait3A_281 = tpu.memref_slice %arg4[%arg0, %add3A_239, %dma_wait3A_280] : memref<2x10240x128xf32, #tpu.memory_space<hbm>> -> memref<1x80x128xf32, #tpu.memory_space<hbm>>
    %dma_wait3A_282 = tpu.memref_squeeze %dma_wait3A_281 : memref<1x80x128xf32, #tpu.memory_space<hbm>> -> memref<80x128xf32, #tpu.memory_space<hbm>>
    %dma_wait3A_283 = arith.constant 0 : i32
    %dma_wait3A_284 = tpu.memref_slice %arg25[%add3A_239, %dma_wait3A_283] : memref<10240x128xf32, #tpu.memory_space<vmem_shared>> -> memref<80x128xf32, #tpu.memory_space<vmem_shared>>
    tpu.wait_dma2 semaphore(%arg37 : memref<!tpu.dma_semaphore, #tpu.memory_space<semaphore_mem>>) src(%dma_wait3A_284 : memref<80x128xf32, #tpu.memory_space<vmem_shared>>) dst(%dma_wait3A_282 : memref<80x128xf32, #tpu.memory_space<hbm>>)
    return
  }
}

module attributes {stable_mosaic.version = 14 : i64} {
  func.func @_mlp_kernel(%arg0: memref<10000x128xf32, #tpu.memory_space<vmem>>, %arg1: memref<2x10240x128xf32, #tpu.memory_space<vmem>>, %arg2: memref<128x128xf32, #tpu.memory_space<vmem>>, %arg3: memref<1x128xf32, #tpu.memory_space<vmem>>, %arg4: memref<1x128xf32, #tpu.memory_space<vmem>>, %arg5: memref<1x128xf32, #tpu.memory_space<vmem>>, %arg6: memref<128x128xf32, #tpu.memory_space<vmem>>, %arg7: memref<1x128xf32, #tpu.memory_space<vmem>>, %arg8: memref<10000x128xf32, #tpu.memory_space<vmem>>) attributes {dimension_semantics = [], scalar_prefetch = 0 : i64, scratch_operands = 0 : i64, tpu.core_type = #tpu.core_type<tc>} {
    %get3A = arith.constant 0 : index
    %get3A_0 = arith.constant 0 : index
    %get3A_1 = vector.load %arg0[%get3A, %get3A_0] : memref<10000x128xf32, #tpu.memory_space<vmem>>, vector<10000x128xf32>
    %get3A_2 = arith.constant 0 : index
    %get3A_3 = arith.constant 0 : index
    %get3A_4 = arith.constant 0 : index
    %get3A_5 = vector.load %arg1[%get3A_2, %get3A_3, %get3A_4] : memref<2x10240x128xf32, #tpu.memory_space<vmem>>, vector<1x10000x128xf32>
    %get3A_6 = vector.shape_cast %get3A_5 : vector<1x10000x128xf32> to vector<10000x128xf32>
    %add3A = arith.addf %get3A_1, %get3A_6 : vector<10000x128xf32>
    %get3A_7 = arith.constant 1 : index
    %get3A_8 = arith.constant 0 : index
    %get3A_9 = arith.constant 0 : index
    %get3A_10 = vector.load %arg1[%get3A_7, %get3A_8, %get3A_9] : memref<2x10240x128xf32, #tpu.memory_space<vmem>>, vector<1x10000x128xf32>
    %get3A_11 = vector.shape_cast %get3A_10 : vector<1x10000x128xf32> to vector<10000x128xf32>
    %add3A_12 = arith.addf %add3A, %get3A_11 : vector<10000x128xf32>
    %get3A_13 = arith.constant 0 : index
    %get3A_14 = arith.constant 0 : index
    %get3A_15 = vector.load %arg2[%get3A_13, %get3A_14] : memref<128x128xf32, #tpu.memory_space<vmem>>, vector<128x128xf32>
    %dot_general3A = arith.constant dense<0.000000e+00> : vector<10000x128xf32>
    %dot_general3A_16 = tpu.matmul %add3A_12, %get3A_15, %dot_general3A {dimension_numbers = #tpu.dot_dimension_numbers<[1], [1], [0], [0], [0, 0, 1, 0], [], []>, transpose_lhs_hint = false} : vector<10000x128xf32>, vector<128x128xf32>, vector<10000x128xf32> -> vector<10000x128xf32>
    %get3A_17 = arith.constant 0 : index
    %get3A_18 = arith.constant 0 : index
    %get3A_19 = vector.load %arg3[%get3A_17, %get3A_18] : memref<1x128xf32, #tpu.memory_space<vmem>>, vector<1x128xf32>
    %add3A_20 = vector.broadcast %get3A_19 : vector<1x128xf32> to vector<10000x128xf32>
    %add3A_21 = arith.addf %dot_general3A_16, %add3A_20 : vector<10000x128xf32>
    %max3A = arith.constant 0.000000e+00 : f32
    %max3A_22 = vector.broadcast %max3A : f32 to vector<10000x128xf32>
    %max3A_23 = arith.maximumf %add3A_21, %max3A_22 : vector<10000x128xf32>
    %reduce_sum3A = arith.constant dense<0.000000e+00> : vector<128xf32>
    %reduce_sum3A_24 = vector.multi_reduction <add>, %max3A_23, %reduce_sum3A [0] : vector<10000x128xf32> to vector<128xf32>
    %broadcast_in_dim3A = vector.shape_cast %reduce_sum3A_24 : vector<128xf32> to vector<1x128xf32>
    %div3A = arith.constant 1.000000e+04 : f32
    %div3A_25 = vector.broadcast %div3A : f32 to vector<1x128xf32>
    %div3A_26 = arith.divf %broadcast_in_dim3A, %div3A_25 : vector<1x128xf32>
    %mul3A = arith.mulf %max3A_23, %max3A_23 : vector<10000x128xf32>
    %reduce_sum3A_27 = arith.constant dense<0.000000e+00> : vector<128xf32>
    %reduce_sum3A_28 = vector.multi_reduction <add>, %mul3A, %reduce_sum3A_27 [0] : vector<10000x128xf32> to vector<128xf32>
    %broadcast_in_dim3A_29 = vector.shape_cast %reduce_sum3A_28 : vector<128xf32> to vector<1x128xf32>
    %div3A_30 = arith.constant 1.000000e+04 : f32
    %div3A_31 = vector.broadcast %div3A_30 : f32 to vector<1x128xf32>
    %div3A_32 = arith.divf %broadcast_in_dim3A_29, %div3A_31 : vector<1x128xf32>
    %mul3A_33 = arith.mulf %div3A_26, %div3A_26 : vector<1x128xf32>
    %sub3A = arith.subf %div3A_32, %mul3A_33 : vector<1x128xf32>
    %get3A_34 = arith.constant 0 : index
    %get3A_35 = arith.constant 0 : index
    %get3A_36 = vector.load %arg4[%get3A_34, %get3A_35] : memref<1x128xf32, #tpu.memory_space<vmem>>, vector<1x128xf32>
    %add3A_37 = arith.constant 9.99999974E-6 : f32
    %add3A_38 = vector.broadcast %add3A_37 : f32 to vector<1x128xf32>
    %add3A_39 = arith.addf %sub3A, %add3A_38 : vector<1x128xf32>
    %rsqrt3A = math.rsqrt %add3A_39 : vector<1x128xf32>
    %mul3A_40 = arith.mulf %get3A_36, %rsqrt3A : vector<1x128xf32>
    %sub3A_41 = vector.broadcast %div3A_26 : vector<1x128xf32> to vector<10000x128xf32>
    %sub3A_42 = arith.subf %max3A_23, %sub3A_41 : vector<10000x128xf32>
    %mul3A_43 = vector.broadcast %mul3A_40 : vector<1x128xf32> to vector<10000x128xf32>
    %mul3A_44 = arith.mulf %sub3A_42, %mul3A_43 : vector<10000x128xf32>
    %get3A_45 = arith.constant 0 : index
    %get3A_46 = arith.constant 0 : index
    %get3A_47 = vector.load %arg5[%get3A_45, %get3A_46] : memref<1x128xf32, #tpu.memory_space<vmem>>, vector<1x128xf32>
    %add3A_48 = vector.broadcast %get3A_47 : vector<1x128xf32> to vector<10000x128xf32>
    %add3A_49 = arith.addf %mul3A_44, %add3A_48 : vector<10000x128xf32>
    %get3A_50 = arith.constant 0 : index
    %get3A_51 = arith.constant 0 : index
    %get3A_52 = vector.load %arg6[%get3A_50, %get3A_51] : memref<128x128xf32, #tpu.memory_space<vmem>>, vector<128x128xf32>
    %dot_general3A_53 = arith.constant dense<0.000000e+00> : vector<10000x128xf32>
    %dot_general3A_54 = tpu.matmul %add3A_49, %get3A_52, %dot_general3A_53 {dimension_numbers = #tpu.dot_dimension_numbers<[1], [1], [0], [0], [0, 0, 1, 0], [], []>, transpose_lhs_hint = false} : vector<10000x128xf32>, vector<128x128xf32>, vector<10000x128xf32> -> vector<10000x128xf32>
    %get3A_55 = arith.constant 0 : index
    %get3A_56 = arith.constant 0 : index
    %get3A_57 = vector.load %arg7[%get3A_55, %get3A_56] : memref<1x128xf32, #tpu.memory_space<vmem>>, vector<1x128xf32>
    %add3A_58 = vector.broadcast %get3A_57 : vector<1x128xf32> to vector<10000x128xf32>
    %add3A_59 = arith.addf %dot_general3A_54, %add3A_58 : vector<10000x128xf32>
    %swap3A = arith.constant 0 : index
    %swap3A_60 = arith.constant 0 : index
    %swap3A_61 = vector.load %arg8[%swap3A, %swap3A_60] : memref<10000x128xf32, #tpu.memory_space<vmem>>, vector<10000x128xf32>
    tpu.vector_store %arg8[%swap3A, %swap3A_60], %add3A_59 {strides = array<i32>} : memref<10000x128xf32, #tpu.memory_space<vmem>>, vector<10000x128xf32>,
    return
  }
}

</mosaic_0001>

<sc_bundles>
// kernel: kernel.4.cloned.1.call-start
scs
__scs_entry_jumppad:
0x0: {  	(pc) =	sbr.rel $0x88, $3  }
0x1: {  	(tag) =	ssettag $0x0;
	lr =	simm.s32 $0x1  }
0x2: {  	[smem:$0x3F99] =	sst lr;
	_ =	strace $0xD0000000  }
0x3: {  	_ = 	snop  }
0x4: {  	_ = 	snop  }
0x5: {  	_ = 	snop  }
0x6: {  	_ = 	snop  }
0x7: {  	_ = 	snop  }
__scs_overlays_trampoline_lowered:
0x8: {  	[smem:$0x3FA8] =	sst s0  }
0x9: {  	[smem:$0x3FA9] =	sst s1  }
0xa: {  	[smem:$0x3FAA] =	sst s2  }
0xb: {  	[smem:$0x3FAB] =	sst s3  }
0xc: {  	[smem:$0x3FAC] =	sst s4  }
0xd: {  	[smem:$0x3FAD] =	sst s5  }
0xe: {  	[smem:$0x3FAE] =	sst s6  }
0xf: {  	[smem:$0x3FAF] =	sst s7  }
0x10: {  	[smem:$0x3FB0] =	sst s8  }
0x11: {  	[smem:$0x3FB1] =	sst s9;
	s0 =	simm.s32 @!p0 $0x0  }
0x12: {  	s1 =	sld [smem:$0x3F97];
	s0 =	simm.s32 @p0 $0x1  }
0x13: {  	[smem:$0x3FB2] =	sst s0;
	s0 =	simm.s32 @!p1 $0x0  }
0x14: {  	s2 =	sld [smem:$0x3F96];
	s0 =	simm.s32 @p1 $0x1  }
0x15: {  	[smem:$0x3FB3] =	sst s0;
	s0 =	simm.s32 @!p2 $0x0  }
0x16: {  	s3 =	sld [smem:$0x3FDB];
	s0 =	simm.s32 @p2 $0x1  }
0x17: {  	s4 =	simm.s32 $0x1BF5;
	[smem:$0x3FB5] =	sst s0  }
0x18: {  	s0 =	sld [smem:$0x3F98];
	_ =	swait.ge [sflag:s4], $0x0  }
0x19: {  	s7 =	sld [smem:$0x3F99]  }
0x1a: {  	s8 =	sadd.s32 $0xFFFFE003, lr  }
0x1b: {  	s9 =	sadd.s32 $0xFFFFFEF7, lr;
	s5 =	simm.s32 $0xFFFFFFFF;
	p2 =	slt.u32 s8, $0xFFFFF086  }
0x1c: {  	p1 =	slt.u32 s9, $0xF7A;
	s5 =	simm.s32 @!p2 $0x0  }
0x1d: {  	s5 =	simm.s32 @p1 $0x1;
	p0 =	seq.s32 s7, s2  }
0x1e: {  	s7 =	smul.u32 @!p0 $0xF7A, s2;
	p2 =	seq.s32 @!p0 s5, $0x0  }
0x1f: {  	s9 =	smul.u32 $0xF7A, s1;
	s8 =	simm.s32 @!p0 $0x1BF5;
	p2 =	por !p2, p0  }
0x20: {  	[sflag:s8] =	ssyncset.s32 @!p0 $0xFFFFF086;
	s6 =	sadd.s32 @!p0 s3, s7;
	s7 =	simm.s32 @!p0 $0x108  }
0x21: {  	s3 =	sadd.s32 s3, s9;
	s6 =	sadd.s32 @!p0 $0x88, s6;
	s7 =	simm.s32 @p2 $0x1082  }
0x22: {  	[simem:s7], [sflag:s8] =	dma.local @!p0 [hbm:s6], $0xF7A  }
0x23: {  	s9 =	sor.u32 $0xD0000000, s2;
	s6 =	simm.s32 $0x108;
	_ =	swait.ge @!p0 [sflag:s8], $0x0  }
0x24: {  	s3 =	sadd.s32 $0x88, s3;
	s6 =	simm.s32 @!p1 $0x1082;
	[sflag:s4] =	ssyncset.s32 $0xFFFFF086  }
0x25: {  	[simem:s6], [sflag:s4] =	dma.local [hbm:s3], $0xF7A  }
0x26: {  	[smem:$0x3F99] =	sst s1;
	(tag) =	ssettag s2;
	_ =	strace s9  }
0x27: {  	s1 =	sld [smem:$0x3FA9]  }
0x28: {  	s2 =	sld [smem:$0x3FAA]  }
0x29: {  	s4 =	sld [smem:$0x3FAC]  }
0x2a: {  	p0 =	seq.s32 s5, $0x0;
	s5 =	sld [smem:$0x3FAD]  }
0x2b: {  	s6 =	sld [smem:$0x3FAE]  }
0x2c: {  	s7 =	sld [smem:$0x3FAF]  }
0x2d: {  	s3 =	simm.s32 $0x108;
	s8 =	sld [smem:$0x3FB0]  }
0x2e: {  	s3 =	simm.s32 @!p0 $0x1082;
	s9 =	sld [smem:$0x3FB1]  }
0x2f: {  	lr =	sadd.s32 s0, s3;
	s0 =	sld [smem:$0x3FA8]  }
0x30: {  	s3 =	sld [smem:$0x3FAB]  }
0x31: {  	[smem:$0x3FB4] =	sst s10  }
0x32: {  	s10 =	sld [smem:$0x3FB2];
	_ =	sdelay $0x3  }
0x33: {  	p0 =	seq.s32 s10, $0x1;
	s10 =	sld [smem:$0x3FB4];
	_ =	sdelay $0x3  }
0x34: {  	[smem:$0x3FB4] =	sst s10  }
0x35: {  	s10 =	sld [smem:$0x3FB3];
	_ =	sdelay $0x3  }
0x36: {  	p1 =	seq.s32 s10, $0x1;
	s10 =	sld [smem:$0x3FB4];
	_ =	sdelay $0x3  }
0x37: {  	[smem:$0x3FB4] =	sst s10  }
0x38: {  	s10 =	sld [smem:$0x3FB5]  }
0x39: {  	_ = 	snop;
	(pc) =	sbr.ind lr, $3  }
0x3a: {  	_ = 	snop  }
0x3b: {  	_ = 	snop  }
0x3c: {  	p2 =	seq.s32 s10, $0x1;
	s10 =	sld [smem:$0x3FB4]  }
0x3d: {  	_ =	shalt  }
0x3e: {  	_ =	shalt  }
0x3f: {  	_ =	shalt  }
0x40: {  	_ =	shalt  }
0x41: {  	_ =	shalt  }
0x42: {  	_ =	shalt  }
0x43: {  	_ =	shalt  }
0x44: {  	_ =	shalt  }
0x45: {  	_ =	shalt  }
0x46: {  	_ =	shalt  }
0x47: {  	_ =	shalt  }
0x48: {  	_ =	shalt  }
0x49: {  	_ =	shalt  }
0x4a: {  	_ =	shalt  }
0x4b: {  	_ =	shalt  }
0x4c: {  	_ =	shalt  }
0x4d: {  	_ =	shalt  }
0x4e: {  	_ =	shalt  }
0x4f: {  	_ =	shalt  }
0x50: {  	_ =	shalt  }
0x51: {  	_ =	shalt  }
0x52: {  	_ =	shalt  }
0x53: {  	_ =	shalt  }
0x54: {  	_ =	shalt  }
0x55: {  	_ =	shalt  }
0x56: {  	_ =	shalt  }
0x57: {  	_ =	shalt  }
0x58: {  	_ =	shalt  }
0x59: {  	_ =	shalt  }
0x5a: {  	_ =	shalt  }
0x5b: {  	_ =	shalt  }
0x5c: {  	_ =	shalt  }
0x5d: {  	_ =	shalt  }
0x5e: {  	_ =	shalt  }
0x5f: {  	_ =	shalt  }
0x60: {  	_ =	shalt  }
0x61: {  	_ =	shalt  }
0x62: {  	_ =	shalt  }
0x63: {  	_ =	shalt  }
0x64: {  	_ =	shalt  }
0x65: {  	_ =	shalt  }
0x66: {  	_ =	shalt  }
0x67: {  	_ =	shalt  }
0x68: {  	_ =	shalt  }
0x69: {  	_ =	shalt  }
0x6a: {  	_ =	shalt  }
0x6b: {  	_ =	shalt  }
0x6c: {  	_ =	shalt  }
0x6d: {  	_ =	shalt  }
0x6e: {  	_ =	shalt  }
0x6f: {  	_ =	shalt  }
0x70: {  	_ =	shalt  }
0x71: {  	_ =	shalt  }
0x72: {  	_ =	shalt  }
0x73: {  	_ =	shalt  }
0x74: {  	_ =	shalt  }
0x75: {  	_ =	shalt  }
0x76: {  	_ =	shalt  }
0x77: {  	_ =	shalt  }
0x78: {  	_ =	shalt  }
0x79: {  	_ =	shalt  }
0x7a: {  	_ =	shalt  }
0x7b: {  	_ =	shalt  }
0x7c: {  	_ =	shalt  }
0x7d: {  	_ =	shalt  }
0x7e: {  	_ =	shalt  }
0x7f: {  	_ =	shalt  }
0x80: {  	_ =	shalt  }
0x81: {  	_ =	shalt  }
0x82: {  	_ =	shalt  }
0x83: {  	_ =	shalt  }
0x84: {  	_ =	shalt  }
0x85: {  	_ =	shalt  }
0x86: {  	_ =	shalt  }
0x87: {  	_ =	shalt  }
.Lfunc_end0:
.L_simem_size_0:
called_computation_lowered:
.L_overlay_start_0:
0x88: {  	s2 =	sld [smem:$0x3FD9]  }
0x89: {  	s3 =	sld [smem:$0x3FFE];
	_ =	sdelay $0x1  }
0x8a: {  	s1 =	srdreg.scid  }
0x8b: {  	s0 =	sand.u32 $0x1, s1  }
0x8c: {  	s17 =	sshll.u32 s0, $0xA;
	s2 =	sadd.s32 s3, s2  }
0x8d: {  	s2 =	sadd.s32 s2, s17  }
0x8e: {  	[smem:$0x3FC0] =	sst s2  }
0x8f: {  	_ = 	snop  }
0x90: {  	s2 =	sld [smem:$0x3FC9]  }
0x91: {  	s18 =	sld [smem:$0x3FD0];
	(tm) =	ssettm $0x1  }
0x92: {  	s4 =	sld [smem:$0x3FFB];
	_ =	sdelay $0x3  }
0x93: {  	_ =	strace s4  }
0x94: {  	s4 =	sld [smem:$0x3FFC];
	_ =	sdelay $0x3  }
0x95: {  	_ =	strace s4  }
0x96: {  	s4 =	sld [smem:$0x3FFD];
	_ =	sdelay $0x3  }
0x97: {  	_ =	strace s4  }
0x98: {  	_ =	strace $0x8FFFFFFF  }
0x99: {  	s19 =	sld [smem:$0x3FDB];
	_ =	sdelay $0x1  }
0x9a: {  	s5 =	simm.s32 $_scs_section_size  }
0x9b: {  	s6 =	simm.s32 $_size__tile_overlayer_lowered;
	s7 =	simm.s32 $_tile_overlayer_lowered  }
0x9c: {  	s22 =	simm.s32 $0x1BFF;
	s21 =	sshll.u32 s7, $0x1;
	s4 =	sadd.s32 s5, s19  }
0x9d: {  	s8 =	simm.s32 $0x0;
	s20 =	sshll.u32 s6, $0x1;
	s6 =	sadd.s32 s21, s4  }
0x9e: {  	[timem:s8], [sflag:s22] =	dma.local [hbm:s6], s20  }
0x9f: {  	_ =	swait.ge [sflag:s22], s20  }
0xa0: {  	s5 =	ssub.s32 $0x0, s20;
	[sflag:s22] =	ssyncset.done $0x0  }
0xa1: {  	[sflag:s22] =	ssyncadd.s32 s5;
	_ =	sdelay $0x1  }
0xa2: {  	s23 =	simm.s32 $0x1B8B  }
0xa3: {  	_ =	swait.ge [sflag:s23], $0x1  }
0xa4: {  	[sflag:s23] =	ssyncset.done $0x0  }
0xa5: {  	s25 =	simm.s32 $0x1B8E;
	s24 =	sld [smem:$0x3FFE];
	[sflag:s23] =	ssyncadd.s32 $0xFFFFFFFF  }
0xa6: {  	s26 =	simm.s32 $execute0_lowered;
	[smem:$0x3FD2] =	sst s25  }
0xa7: {  	s6 =	sshll.u32 s26, $0x1;
	_ =	strace $0x80000046;
	[dreg:$0x1] =	wrdreg $0xFFFFFFFF  }
0xa8: {  	s28 =	simm.s32 $_size_execute0_lowered;
	s4 =	sadd.s32 s4, s6;
	[dreg:$0x0] =	wrdreg $0x0  }
0xa9: {  	s6 =	sshll.u32 s28, $0x1;
	[dreg:$0x2] =	wrdreg s4  }
0xaa: {  	[dreg:$0x3] =	wrdreg s6  }
0xab: {  	[dreg:$0x4] =	wrdreg $0xC0  }
0xac: {  	_ =	task [dreg:s8], $0x5FFFF  }
0xad: {  	[dreg:$0x1] =	wrdreg $0xFFFFFFFF  }
0xae: {  	[dreg:$0x0] =	wrdreg $0x60  }
0xaf: {  	[dreg:$0x2] =	wrdreg s2  }
0xb0: {  	[dreg:$0x3] =	wrdreg s18  }
0xb1: {  	[dreg:$0x4] =	wrdreg s24  }
0xb2: {  	[dreg:$0x5] =	wrdreg $0xA8000  }
0xb3: {  	[dreg:$0x6] =	wrdreg $0x9  }
0xb4: {  	_ =	task.clear_ibuf [dreg:s8], $0x7FFFF;
	_ =	strace $0x90000046  }
0xb5: {  	s29 =	simm.s32 $0x9;
	_ =	strace $0x80000048  }
0xb6: {  	_ =	swait.ge [sflag:s29], $0x1  }
0xb7: {  	[sflag:s29] =	ssyncadd.s32 $0xFFFFFFFF  }
0xb8: {  	_ =	strace $0x90000048  }
0xb9: {  	_ =	sfence  }
0xba: {  	s30 =	sld [smem:$0x0];
	_ =	sdelay $0x2  }
0xbb: {  	s31 =	sshll.u32 s1, $0xD;
	s1 =	sshrl.u32 s1, $0x2  }
0xbc: {  	s3 =	sand.u32 $0x4000, s31;
	s1 =	sadd.s32 s1, s30  }
0xbd: {  	s0 =	sor.u32 s3, s0;
	s1 =	sshll.u32 s1, $0x11  }
0xbe: {  	s0 =	sor.u32 s1, s0  }
0xbf: {  	s0 =	sadd.s32 $0x8F2B, s0  }
0xc0: {  	[sflag:s0] =	ssyncadd.remote.s32 $0x1  }
0xc1: {  	_ =	sfence.sel $0xFFFF  }
0xc2: {  	[dreg:$0x0] =	wrdreg $0xFFFFFFFF;
	(pc) =	sbr.abs _section_cstart, $3  }
0xc3: {  	[dreg:$0x1] =	wrdreg $0xFFFFFFFF  }
0xc4: {  	_ =	task.clear_ibuf [dreg:s8], $0x2FFFF;
	_ =	strace $0x9FFFFFFF  }
0xc5: {  	(tm) =	ssettm $0x7FFFFFFF  }
tec
execute0_lowered:
.L_overlay_start_1:
0x0: {  	(tag) =	ssettag $0x1  }
0x1: {  	s3 =	rddreg [dreg:$0x0]  }
0x2: {  	s25 =	rddreg [dreg:$0x1]  }
0x3: {  	s0 =	rddreg [dreg:$0x2]  }
0x4: {  	s1 =	rddreg [dreg:$0x3]  }
0x5: {  	s5 =	simm.s32 $0x0;
	s2 =	srdreg.scid;
	s18 =	stileid.u32  }
0x6: {  	[smem:$0x7FF] =	sst s5;
	s12 =	sand.u32 $0x1, s2;
	s10 =	smul.u32 $0x14000, s18  }
0x7: {  	s13 =	sadd.s32 $0x1A00, s0;
	s4 =	sshll.u32 s18, $0x1;
	s23 =	smul.u32 $0x4E20, s18  }
0x8: {  	s24 =	ssub.s32 $0x2, s12;
	s14 =	smul.u32 $0x140000, s12;
	s11 =	sor.u32 s12, s4  }
0x9: {  	s12 =	smul.u32 $0x2710, s12;
	s26 =	sshrl.u32 s24, $0x1;
	s2 =	sor.u32 $0x2800, s10  }
0xa: {  	s4 =	sadd.s32 $0x5000, s10;
	s6 =	sadd.s32 $0x7800, s10;
	s7 =	sadd.s32 $0xA000, s10  }
0xb: {  	s8 =	sadd.s32 $0xC800, s10;
	s11 =	smul.u32 $0x2710, s11;
	s0 =	ssub.s32 s24, s26  }
0xc: {  	s9 =	sadd.s32 s10, s14;
	s29 =	sadd.s32 s14, s2;
	s16 =	sadd.s32 s14, s4  }
0xd: {  	s17 =	sadd.s32 s14, s6;
	s21 =	sadd.s32 s14, s7;
	s22 =	sadd.s32 s14, s8  }
0xe: {  	s12 =	sadd.s32 s12, s23;
	s2 =	sadd.s32 s2, s1;
	s30 =	sadd.s32 s8, s1  }
0xf: {  	s15 =	sshrl.u32 s9, $0x3;
	s9 =	sadd.s32 $0xF000, s10;
	s10 =	sadd.s32 $0x11800, s10  }
0x10: {  	s16 =	sshrl.u32 s16, $0x3;
	s17 =	sshrl.u32 s17, $0x3;
	s0 =	smax.u32 s0, $0x1  }
0x11: {  	s15 =	sadd.s32 s13, s15;
	s19 =	sadd.s32 s13, s16;
	s20 =	sadd.s32 s13, s17  }
0x12: {  	s16 =	sshrl.u32 s22, $0x3;
	s26 =	sadd.s32 s14, s9;
	[dreg:$0x14] =	wrdreg s15  }
0x13: {  	s14 =	sadd.s32 s14, s10;
	s22 =	sadd.s32 $0x4E520, s12;
	[dreg:$0x16] =	wrdreg s19  }
0x14: {  	s15 =	sshrl.u32 s29, $0x3;
	[dreg:$0x17] =	wrdreg s20;
	s24 =	sadd.s32 s13, s16  }
0x15: {  	s14 =	sshrl.u32 s14, $0x3;
	s29 =	sadd.s32 $0x4E480, s12;
	s15 =	sadd.s32 s13, s15  }
0x16: {  	s16 =	sadd.s32 $0x2D0, s12;
	[dreg:$0x15] =	wrdreg s15;
	s15 =	sshrl.u32 s21, $0x3  }
0x17: {  	s19 =	sadd.s32 $0x4E4D0, s12;
	[dreg:$0x19] =	wrdreg s24;
	s15 =	sadd.s32 s13, s15  }
0x18: {  	s20 =	sshrl.u32 s19, $0x3;
	[dreg:$0x18] =	wrdreg s15;
	s15 =	sshrl.u32 s26, $0x3  }
0x19: {  	s24 =	sshrl.u32 s22, $0x3;
	s21 =	sadd.s32 $0x320, s12;
	s15 =	sadd.s32 s13, s15  }
0x1a: {  	s13 =	sadd.s32 s13, s14;
	s14 =	sshrl.u32 s16, $0x3;
	[dreg:$0x1a] =	wrdreg s15  }
0x1b: {  	s26 =	sadd.s32 s24, s25;
	[dreg:$0x1b] =	wrdreg s13;
	s17 =	sadd.s32 s14, s25  }
0x1c: {  	s24 =	sadd.s32 $0x4E3E0, s12;
	_ =	strace $0x80000047;
	[dreg:$0x6] =	wrdreg s17  }
0x1d: {  	s16 =	sadd.s32 $0x230, s12;
	s15 =	sshrl.u32 s29, $0x3;
	[dreg:$0x9] =	wrdreg s26  }
0x1e: {  	s14 =	sshrl.u32 s21, $0x3;
	s29 =	sadd.s32 $0x370, s12;
	[dreg:$0x1f] =	wrdreg s2  }
0x1f: {  	s19 =	sshrl.u32 s16, $0x3;
	s21 =	sadd.s32 $0x4E430, s12;
	[smem:$0x7F3] =	sst s0  }
0x20: {  	s13 =	sadd.s32 s15, s25;
	s23 =	sadd.s32 s14, s25;
	[smem:$0x7FD] =	sst s30  }
0x21: {  	s14 =	sshrl.u32 s29, $0x3;
	s15 =	sadd.s32 $0x4E570, s12;
	[dreg:$0x5] =	wrdreg s13  }
0x22: {  	s22 =	sshrl.u32 s21, $0x3;
	s13 =	sadd.s32 s20, s25;
	[dreg:$0x8] =	wrdreg s23  }
0x23: {  	s20 =	sadd.s32 s19, s25;
	s23 =	sadd.s32 $0x1E0, s12;
	[dreg:$0x7] =	wrdreg s13  }
0x24: {  	s13 =	sadd.s32 s14, s25;
	s14 =	sshrl.u32 s15, $0x3;
	[dreg:$0xc] =	wrdreg s20  }
0x25: {  	s15 =	sadd.s32 $0x190, s12;
	[dreg:$0xa] =	wrdreg s13;
	s17 =	sadd.s32 s14, s25  }
0x26: {  	s13 =	sadd.s32 s22, s25;
	s14 =	sshrl.u32 s23, $0x3;
	[dreg:$0xb] =	wrdreg s17  }
0x27: {  	s16 =	sshrl.u32 s15, $0x3;
	s15 =	sadd.s32 s7, s1;
	[dreg:$0xd] =	wrdreg s13  }
0x28: {  	s23 =	smul.u32 $0x50000, s18;
	s18 =	sadd.s32 $0x280, s12;
	[smem:$0x7F0] =	sst s15  }
0x29: {  	s29 =	sshrl.u32 s24, $0x3;
	s26 =	sadd.s32 s14, s25;
	[smem:$0x7F4] =	sst s18  }
0x2a: {  	s11 =	sshrl.u32 s11, $0x3;
	s14 =	sadd.s32 s29, s25;
	[dreg:$0xe] =	wrdreg s26  }
0x2b: {  	s20 =	sadd.s32 $0x140, s12;
	s13 =	sadd.s32 s16, s25;
	[dreg:$0xf] =	wrdreg s14  }
0x2c: {  	s21 =	sshrl.u32 s20, $0x3;
	s16 =	sadd.s32 s9, s1;
	[dreg:$0x10] =	wrdreg s13  }
0x2d: {  	s17 =	sadd.s32 $0x4E390, s12;
	s13 =	sadd.s32 s21, s25;
	[smem:$0x7F1] =	sst s16  }
0x2e: {  	s14 =	sshrl.u32 s17, $0x3;
	s17 =	sadd.s32 s10, s1;
	[dreg:$0x12] =	wrdreg s13  }
0x2f: {  	s22 =	sadd.s32 $0x4E340, s12;
	s19 =	sadd.s32 s14, s25;
	[smem:$0x7F2] =	sst s17  }
0x30: {  	s14 =	sshrl.u32 s22, $0x3;
	s13 =	sadd.s32 s6, s1;
	[dreg:$0x11] =	wrdreg s19  }
0x31: {  	s26 =	sshrl.u32 s23, $0x2;
	s24 =	sadd.s32 s14, s25;
	[smem:$0x7EF] =	sst s13  }
0x32: {  	s14 =	sadd.s32 s25, s11;
	s11 =	sadd.s32 s26, s1;
	[dreg:$0x13] =	wrdreg s24  }
0x33: {  	s31 =	simm.s32 $0x480;
	[dreg:$0x1e] =	wrdreg s11  }
0x34: {  	s28 =	simm.s32 $0x580;
	s29 =	sadd.s32 $0x9C40, s14;
	[dreg:$0x1c] =	wrdreg s14  }
0x35: {  	s2 =	simm.s32 $0xB;
	s11 =	sadd.s32 s4, s1;
	[dreg:$0x1d] =	wrdreg s29  }
0x36: {  	s7 =	simm.s32 $0x0;
	s19 =	sadd.s32 $0xA, s14;
	[smem:$0x7EE] =	sst s11  }
0x37: {  	s12 =	simm.s32 $0x180;
	s20 =	sadd.s32 $0x9C4A, s14;
	[smem:$0x7F5] =	sst s19  }
0x38: {  	s15 =	simm.s32 $0x800;
	s21 =	sadd.s32 $0x14, s14;
	[smem:$0x7F6] =	sst s20  }
0x39: {  	s16 =	simm.s32 $0x50;
	s22 =	sadd.s32 $0x9C54, s14;
	[smem:$0x7F7] =	sst s21  }
0x3a: {  	s6 =	simm.s32 $0x80;
	s23 =	sadd.s32 $0x1E, s14;
	[smem:$0x7F8] =	sst s22  }
0x3b: {  	s17 =	simm.s32 $0x2;
	s24 =	sadd.s32 $0x9C5E, s14;
	[smem:$0x7F9] =	sst s23  }
0x3c: {  	s26 =	sadd.s32 $0x4D8, s14;
	s4 =	simm.s32 $0x400;
	[smem:$0x7FA] =	sst s24  }
0x3d: {  	s1 =	simm.s32 $0x100;
	[smem:$0x7FB] =	sst s26;
	s29 =	sadd.s32 $0xA118, s14  }
0x3e: {  	s26 =	simm.s32 $0x500;
	s14 =	simm.s32 $0x1;
	s19 =	simm.s32 $0x3  }
0x3f: {  	s20 =	simm.s32 $0x5800;
	s21 =	simm.s32 $0x4;
	s22 =	simm.s32 $0x9  }
0x40: {  	v0 =	vimm.f32 $0.0e+00;
	s23 =	simm.s32 $0xA;
	s11 =	simm.s32 $0xC;
	[smem:$0x7FC] =	sst s29  }
.LBB2_1:
0x41: {  	[smem:$0x7ED] =	sst s7  }
0x42: {  	s0 =	rddreg [dreg:$0x1c]  }
0x43: {  	s7 =	rddreg [dreg:$0x1d]  }
0x44: {  	[tilespmem:s5], [sflag:$0x1] =	stream.linear.gather [hbm4b:s0+s5], $0x50, $0x38;
	[tilespmem:$0x1E800] =	vst v63  }
0x45: {  	s8 =	sld [smem:$0x7F5]  }
0x46: {  	[tilespmem:s4], [sflag:$0x1] =	stream.linear.gather [hbm4b:s7+s5], $0x50, $0x38;
	[tilespmem:$0x1E800] =	vst v63  }
0x47: {  	s9 =	sld [smem:$0x7F6]  }
0x48: {  	[tilespmem:s6], [sflag:$0x2] =	stream.linear.gather [hbm4b:s8+s5], $0x50, $0x38;
	[tilespmem:$0x1E800] =	vst v63  }
0x49: {  	s10 =	sld [smem:$0x7F7]  }
0x4a: {  	[tilespmem:s31], [sflag:$0x2] =	stream.linear.gather [hbm4b:s9+s5], $0x50, $0x38;
	[tilespmem:$0x1E800] =	vst v63  }
0x4b: {  	s13 =	sld [smem:$0x7F8]  }
0x4c: {  	[tilespmem:s1], [sflag:$0x3] =	stream.linear.gather [hbm4b:s10+s5], $0x50, $0x38;
	[tilespmem:$0x1E800] =	vst v63  }
0x4d: {  	s18 =	sld [smem:$0x7F9]  }
0x4e: {  	[tilespmem:s26], [sflag:$0x3] =	stream.linear.gather [hbm4b:s13+s5], $0x50, $0x38;
	[tilespmem:$0x1E800] =	vst v63  }
0x4f: {  	s24 =	sld [smem:$0x7FA]  }
0x50: {  	[tilespmem:s12], [sflag:$0x4] =	stream.linear.gather [hbm4b:s18+s5], $0x50, $0x38;
	[tilespmem:$0x1E800] =	vst v63  }
0x51: {  	_ = 	snop  }
0x52: {  	[tilespmem:s28], [sflag:$0x4] =	stream.linear.gather [hbm4b:s24+s5], $0x50, $0x38;
	[tilespmem:$0x1E800] =	vst v63  }
0x53: {  	s29 =	simm.s32 $0x200;
	s28 =	simm.s32 $0x0  }
.LBB2_2:
0x54: {  	p0 =	sne.s32 s29, $0x9E00;
	[tilespmem:s28+$0x870] =	vst v0  }
0x55: {  	[tilespmem:s28+$0x800] =	vst v0  }
0x56: {  	[tilespmem:s28+$0x810] =	vst v0  }
.Ltmp0:
0x57: {  	[tilespmem:s28+$0x820] =	vst v0;
	(pc) =	sbr.rel @p0 .LBB2_2-.Ltmp0, $4  }
0x58: {  	[tilespmem:s28+$0x830] =	vst v0  }
0x59: {  	[tilespmem:s28+$0x840] =	vst v0  }
0x5a: {  	[tilespmem:s28+$0x850] =	vst v0  }
0x5b: {  	[tilespmem:s28+$0x860] =	vst v0;
	s28 =	sshra.s32 s29, $0x2;
	s29 =	sadd.s32 $0x200, s29  }
0x5c: {  	[tilespmem:s28+$0x870] =	vst v0  }
0x5d: {  	[tilespmem:s28+$0x800] =	vst v0  }
0x5e: {  	[tilespmem:s28+$0x810] =	vst v0  }
0x5f: {  	[tilespmem:s28+$0x820] =	vst v0  }
0x60: {  	[tilespmem:s28+$0x830] =	vst v0  }
0x61: {  	[tilespmem:s28+$0x840] =	vst v0  }
0x62: {  	[tilespmem:s28+$0x850] =	vst v0  }
0x63: {  	[tilespmem:s28+$0x860] =	vst v0;
	s0 =	rddreg [dreg:$0x1e];
	s28 =	simm.s32 $0x11  }
0x64: {  	[spmem:s0] =	stream.linear.scatter [tilespmem:s15], [sflag:$0x11], $0x2800, $0x38;
	[tilespmem:$0x1E800] =	vst v63  }
0x65: {  	_ =	swait.ge [sflag:s28], $0x2800  }
0x66: {  	[sflag:s28] =	ssyncset.done $0x0  }
0x67: {  	s9 =	rddreg [dreg:$0x1f];
	[sflag:s28] =	ssyncadd.s32 $0xFFFFD800  }
0x68: {  	[spmem:s9] =	stream.linear.scatter [tilespmem:s15], [sflag:$0x11], $0x2800, $0x38;
	[tilespmem:$0x1E800] =	vst v63  }
0x69: {  	_ =	swait.ge [sflag:s28], $0x2800  }
0x6a: {  	s10 =	sld [smem:$0x7EE]  }
0x6b: {  	[sflag:s28] =	ssyncset.done $0x0  }
0x6c: {  	[sflag:s28] =	ssyncadd.s32 $0xFFFFD800  }
0x6d: {  	[spmem:s10] =	stream.linear.scatter [tilespmem:s15], [sflag:$0x11], $0x2800, $0x38;
	[tilespmem:$0x1E800] =	vst v63  }
0x6e: {  	_ =	swait.ge [sflag:s28], $0x2800  }
0x6f: {  	s13 =	sld [smem:$0x7EF]  }
0x70: {  	[sflag:s28] =	ssyncset.done $0x0  }
0x71: {  	[sflag:s28] =	ssyncadd.s32 $0xFFFFD800  }
0x72: {  	[spmem:s13] =	stream.linear.scatter [tilespmem:s15], [sflag:$0x11], $0x2800, $0x38;
	[tilespmem:$0x1E800] =	vst v63  }
0x73: {  	_ =	swait.ge [sflag:s28], $0x2800  }
0x74: {  	s18 =	sld [smem:$0x7F0]  }
0x75: {  	[sflag:s28] =	ssyncset.done $0x0  }
0x76: {  	[sflag:s28] =	ssyncadd.s32 $0xFFFFD800  }
0x77: {  	[spmem:s18] =	stream.linear.scatter [tilespmem:s15], [sflag:$0x11], $0x2800, $0x38;
	[tilespmem:$0x1E800] =	vst v63  }
0x78: {  	_ =	swait.ge [sflag:s28], $0x2800  }
0x79: {  	[sflag:s28] =	ssyncset.done $0x0  }
0x7a: {  	[sflag:s28] =	ssyncadd.s32 $0xFFFFD800  }
0x7b: {  	[spmem:s30] =	stream.linear.scatter [tilespmem:s15], [sflag:$0x11], $0x2800, $0x38;
	[tilespmem:$0x1E800] =	vst v63  }
0x7c: {  	_ =	swait.ge [sflag:s28], $0x2800  }
0x7d: {  	s24 =	sld [smem:$0x7F1]  }
0x7e: {  	[sflag:s28] =	ssyncset.done $0x0  }
0x7f: {  	[sflag:s28] =	ssyncadd.s32 $0xFFFFD800  }
0x80: {  	[spmem:s24] =	stream.linear.scatter [tilespmem:s15], [sflag:$0x11], $0x2800, $0x38;
	[tilespmem:$0x1E800] =	vst v63  }
0x81: {  	_ =	swait.ge [sflag:s28], $0x2800  }
0x82: {  	s1 =	sld [smem:$0x7F2]  }
0x83: {  	[sflag:s28] =	ssyncset.done $0x0  }
0x84: {  	[sflag:s28] =	ssyncadd.s32 $0xFFFFD800  }
0x85: {  	[spmem:s1] =	stream.linear.scatter [tilespmem:s15], [sflag:$0x11], $0x2800, $0x38;
	[tilespmem:$0x1E800] =	vst v63  }
0x86: {  	_ =	swait.ge [sflag:s28], $0x2800  }
0x87: {  	[sflag:s28] =	ssyncset.done $0x0  }
0x88: {  	p0 =	por $0x1, $0x1;
	[sflag:s28] =	ssyncadd.s32 $0xFFFFD800  }
0x89: {  	s28 =	simm.s32 @!p0 $0xD;
	[bflag:$0x0] =	sbarrier.arrive $0xFFFF  }
0x8a: {  	_ =	swait.ge @!p0 [sflag:s28], $0x2800  }
0x8b: {  	[sflag:s28] =	ssyncset.done @!p0 $0x0  }
0x8c: {  	[sflag:s28] =	ssyncadd.s32 @!p0 $0xFFFFD800;
	s28 =	simm.s32 @!p0 $0xE  }
0x8d: {  	_ =	swait.ge @!p0 [sflag:s28], $0x2800  }
0x8e: {  	[sflag:s28] =	ssyncset.done @!p0 $0x0  }
0x8f: {  	[sflag:s28] =	ssyncadd.s32 @!p0 $0xFFFFD800;
	s28 =	simm.s32 @!p0 $0xF  }
0x90: {  	_ =	swait.ge @!p0 [sflag:s28], $0x2800  }
0x91: {  	[sflag:s28] =	ssyncset.done @!p0 $0x0  }
0x92: {  	[sflag:s28] =	ssyncadd.s32 @!p0 $0xFFFFD800;
	s28 =	simm.s32 @!p0 $0x10  }
0x93: {  	_ =	swait.ge @!p0 [sflag:s28], $0x2800  }
0x94: {  	s13 =	simm.s32 $0x200;
	s29 =	rddreg [dreg:$0x12];
	[sflag:s28] =	ssyncset.done @!p0 $0x0  }
0x95: {  	s30 =	rddreg [dreg:$0x13];
	[sflag:s28] =	ssyncadd.s32 @!p0 $0xFFFFD800;
	s28 =	sadd.s32 $0x0, s29  }
0x96: {  	[tilespmem:s13], [sflag:$0x5] =	stream.linear.gather [hbm4b:s28+s5], $0x50, $0x38;
	[tilespmem:$0x1E800] =	vst v63  }
0x97: {  	s18 =	simm.s32 $0x600;
	s29 =	rddreg [dreg:$0x10];
	s28 =	sadd.s32 $0x0, s30  }
0x98: {  	[tilespmem:s18], [sflag:$0x5] =	stream.linear.gather [hbm4b:s28+s5], $0x50, $0x38;
	[tilespmem:$0x1E800] =	vst v63  }
0x99: {  	s24 =	simm.s32 $0x280;
	s30 =	rddreg [dreg:$0x11];
	s28 =	sadd.s32 $0x0, s29  }
0x9a: {  	[tilespmem:s24], [sflag:$0x6] =	stream.linear.gather [hbm4b:s28+s5], $0x50, $0x38;
	[tilespmem:$0x1E800] =	vst v63  }
0x9b: {  	s8 =	simm.s32 $0x680;
	s29 =	rddreg [dreg:$0xe];
	s28 =	sadd.s32 $0x0, s30  }
0x9c: {  	[tilespmem:s8], [sflag:$0x6] =	stream.linear.gather [hbm4b:s28+s5], $0x50, $0x38;
	[tilespmem:$0x1E800] =	vst v63  }
0x9d: {  	s1 =	simm.s32 $0x300;
	s30 =	rddreg [dreg:$0xf];
	s28 =	sadd.s32 $0x0, s29  }
0x9e: {  	[tilespmem:s1], [sflag:$0x7] =	stream.linear.gather [hbm4b:s28+s5], $0x50, $0x38;
	[tilespmem:$0x1E800] =	vst v63  }
0x9f: {  	s9 =	simm.s32 $0x700;
	s29 =	rddreg [dreg:$0xc];
	s28 =	sadd.s32 $0x0, s30  }
0xa0: {  	[tilespmem:s9], [sflag:$0x7] =	stream.linear.gather [hbm4b:s28+s5], $0x50, $0x38;
	[tilespmem:$0x1E800] =	vst v63  }
0xa1: {  	s10 =	simm.s32 $0x380;
	s30 =	rddreg [dreg:$0xd];
	s28 =	sadd.s32 $0x0, s29  }
0xa2: {  	[tilespmem:s10], [sflag:$0x8] =	stream.linear.gather [hbm4b:s28+s5], $0x50, $0x38;
	[tilespmem:$0x1E800] =	vst v63  }
0xa3: {  	s7 =	simm.s32 $0x780;
	s28 =	sadd.s32 $0x0, s30  }
0xa4: {  	[tilespmem:s7], [sflag:$0x8] =	stream.linear.gather [hbm4b:s28+s5], $0x50, $0x38;
	[tilespmem:$0x1E800] =	vst v63  }
0xa5: {  	_ =	swait.ge [sflag:s14], $0x50  }
0xa6: {  	[sflag:s14] =	ssyncset.done $0x0  }
0xa7: {  	[sflag:s14] =	ssyncadd.s32 $0xFFFFFFB0  }
0xa8: {  	_ =	swait.ge [sflag:s14], $0x50  }
0xa9: {  	[sflag:s14] =	ssyncset.done $0x0  }
0xaa: {  	[sflag:s14] =	ssyncadd.s32 $0xFFFFFFB0  }
0xab: {  	[tilespmem:s15], [sflag:$0x9] =	stream.indirect.gather [hbm4b:s3+s16], $0x80, s5, s16, $0xb8;
	[tilespmem:$0x1E800] =	vst v63  }
0xac: {  	_ =	swait.ge [sflag:s17], $0x50  }
0xad: {  	[sflag:s17] =	ssyncset.done $0x0  }
0xae: {  	[sflag:s17] =	ssyncadd.s32 $0xFFFFFFB0  }
0xaf: {  	_ =	swait.ge [sflag:s17], $0x50  }
0xb0: {  	[sflag:s17] =	ssyncset.done $0x0  }
0xb1: {  	s0 =	simm.s32 $0x3000;
	[sflag:s17] =	ssyncadd.s32 $0xFFFFFFB0  }
0xb2: {  	[tilespmem:s0], [sflag:$0xA] =	stream.indirect.gather [hbm4b:s3+s16], $0x80, s6, s16, $0xb8;
	[tilespmem:$0x1E800] =	vst v63  }
0xb3: {  	_ =	swait.ge [sflag:s19], $0x50  }
0xb4: {  	[sflag:s19] =	ssyncset.done $0x0  }
0xb5: {  	[sflag:s19] =	ssyncadd.s32 $0xFFFFFFB0  }
0xb6: {  	_ =	swait.ge [sflag:s19], $0x50  }
0xb7: {  	[sflag:s19] =	ssyncset.done $0x0  }
0xb8: {  	s17 =	simm.s32 $0x100;
	[sflag:s19] =	ssyncadd.s32 $0xFFFFFFB0  }
0xb9: {  	[tilespmem:s20], [sflag:$0xB] =	stream.indirect.gather [hbm4b:s3+s16], $0x80, s17, s16, $0xb8;
	[tilespmem:$0x1E800] =	vst v63  }
0xba: {  	_ =	swait.ge [sflag:s21], $0x50  }
0xbb: {  	[sflag:s21] =	ssyncset.done $0x0  }
0xbc: {  	[sflag:s21] =	ssyncadd.s32 $0xFFFFFFB0  }
0xbd: {  	_ =	swait.ge [sflag:s21], $0x50  }
0xbe: {  	[sflag:s21] =	ssyncset.done $0x0  }
0xbf: {  	s7 =	simm.s32 $0x8000;
	[sflag:s21] =	ssyncadd.s32 $0xFFFFFFB0  }
0xc0: {  	[tilespmem:s7], [sflag:$0xC] =	stream.indirect.gather [hbm4b:s3+s16], $0x80, s12, s16, $0xb8;
	[tilespmem:$0x1E800] =	vst v63  }
0xc1: {  	_ =	swait.ge [sflag:s22], $0x2800  }
0xc2: {  	[sflag:s22] =	ssyncset.done $0x0  }
0xc3: {  	[sflag:s22] =	ssyncadd.s32 $0xFFFFD800  }
0xc4: {  	s14 =	rddreg [dreg:$0x3]  }
0xc5: {  	[spmem:s14] =	stream.indirect.scatter.add.f32 [tilespmem:s15], [sflag:$0xD], $0x80, s4, s16, $0xb8;
	[tilespmem:$0x1E800] =	vst v63  }
0xc6: {  	_ =	swait.ge [sflag:s23], $0x2800  }
0xc7: {  	[sflag:s23] =	ssyncset.done $0x0  }
0xc8: {  	[sflag:s23] =	ssyncadd.s32 $0xFFFFD800  }
0xc9: {  	[spmem:s14] =	stream.indirect.scatter.add.f32 [tilespmem:s0], [sflag:$0xE], $0x80, s31, s16, $0xb8;
	[tilespmem:$0x1E800] =	vst v63  }
0xca: {  	_ =	swait.ge [sflag:s2], $0x2800  }
0xcb: {  	[sflag:s2] =	ssyncset.done $0x0  }
0xcc: {  	[sflag:s2] =	ssyncadd.s32 $0xFFFFD800  }
0xcd: {  	[spmem:s14] =	stream.indirect.scatter.add.f32 [tilespmem:s20], [sflag:$0xF], $0x80, s26, s16, $0xb8;
	[tilespmem:$0x1E800] =	vst v63  }
0xce: {  	_ =	swait.ge [sflag:s11], $0x2800  }
0xcf: {  	[sflag:s11] =	ssyncset.done $0x0  }
0xd0: {  	s19 =	simm.s32 $0xD;
	s15 =	simm.s32 $0x580;
	[sflag:s11] =	ssyncadd.s32 $0xFFFFD800  }
0xd1: {  	[spmem:s14] =	stream.indirect.scatter.add.f32 [tilespmem:s7], [sflag:$0x10], $0x80, s15, s16, $0xb8;
	[tilespmem:$0x1E800] =	vst v63  }
0xd2: {  	_ =	swait.ge [sflag:s19], $0x2800  }
0xd3: {  	[sflag:s19] =	ssyncset.done $0x0  }
0xd4: {  	s21 =	simm.s32 $0xE;
	[sflag:s19] =	ssyncadd.s32 $0xFFFFD800  }
0xd5: {  	_ =	swait.ge [sflag:s21], $0x2800  }
0xd6: {  	[sflag:s21] =	ssyncset.done $0x0  }
0xd7: {  	s7 =	simm.s32 $0xF;
	[sflag:s21] =	ssyncadd.s32 $0xFFFFD800  }
0xd8: {  	_ =	swait.ge [sflag:s7], $0x2800  }
0xd9: {  	[sflag:s7] =	ssyncset.done $0x0  }
0xda: {  	s19 =	simm.s32 $0x10;
	[sflag:s7] =	ssyncadd.s32 $0xFFFFD800  }
0xdb: {  	_ =	swait.ge [sflag:s19], $0x2800  }
0xdc: {  	s21 =	sld [smem:$0x7F4];
	_ =	sdelay $0x2  }
0xdd: {  	[sflag:s19] =	ssyncset.done $0x0;
	s28 =	sshrl.u32 s21, $0x3  }
0xde: {  	s29 =	rddreg [dreg:$0x5];
	[sflag:s19] =	ssyncadd.s32 $0xFFFFD800;
	s28 =	sadd.s32 s25, s28  }
0xdf: {  	[tilespmem:s5], [sflag:$0x1] =	stream.linear.gather [hbm4b:s28+s5], $0x50, $0x38;
	[tilespmem:$0x1E800] =	vst v63  }
0xe0: {  	s30 =	rddreg [dreg:$0x6];
	s28 =	sadd.s32 $0x0, s29  }
0xe1: {  	[tilespmem:s4], [sflag:$0x1] =	stream.linear.gather [hbm4b:s28+s5], $0x50, $0x38;
	[tilespmem:$0x1E800] =	vst v63  }
0xe2: {  	s29 =	rddreg [dreg:$0x7];
	s28 =	sadd.s32 $0x0, s30  }
0xe3: {  	[tilespmem:s6], [sflag:$0x2] =	stream.linear.gather [hbm4b:s28+s5], $0x50, $0x38;
	[tilespmem:$0x1E800] =	vst v63  }
0xe4: {  	s30 =	rddreg [dreg:$0x8];
	s28 =	sadd.s32 $0x0, s29  }
0xe5: {  	[tilespmem:s31], [sflag:$0x2] =	stream.linear.gather [hbm4b:s28+s5], $0x50, $0x38;
	[tilespmem:$0x1E800] =	vst v63  }
0xe6: {  	s29 =	rddreg [dreg:$0x9];
	s28 =	sadd.s32 $0x0, s30  }
0xe7: {  	[tilespmem:s17], [sflag:$0x3] =	stream.linear.gather [hbm4b:s28+s5], $0x50, $0x38;
	[tilespmem:$0x1E800] =	vst v63  }
0xe8: {  	s30 =	rddreg [dreg:$0xa];
	s28 =	sadd.s32 $0x0, s29  }
0xe9: {  	[tilespmem:s26], [sflag:$0x3] =	stream.linear.gather [hbm4b:s28+s5], $0x50, $0x38;
	[tilespmem:$0x1E800] =	vst v63  }
0xea: {  	s29 =	rddreg [dreg:$0xb];
	s28 =	sadd.s32 $0x0, s30  }
0xeb: {  	[tilespmem:s12], [sflag:$0x4] =	stream.linear.gather [hbm4b:s28+s5], $0x50, $0x38;
	[tilespmem:$0x1E800] =	vst v63  }
0xec: {  	s28 =	sadd.s32 $0x0, s29;
	s12 =	simm.s32 $0x5  }
0xed: {  	[tilespmem:s15], [sflag:$0x4] =	stream.linear.gather [hbm4b:s28+s5], $0x50, $0x38;
	[tilespmem:$0x1E800] =	vst v63  }
0xee: {  	_ =	swait.ge [sflag:s12], $0x50  }
0xef: {  	[sflag:s12] =	ssyncset.done $0x0  }
0xf0: {  	[sflag:s12] =	ssyncadd.s32 $0xFFFFFFB0  }
0xf1: {  	_ =	swait.ge [sflag:s12], $0x50  }
0xf2: {  	[sflag:s12] =	ssyncset.done $0x0  }
0xf3: {  	s15 =	simm.s32 $0x800;
	[sflag:s12] =	ssyncadd.s32 $0xFFFFFFB0  }
0xf4: {  	[tilespmem:s15], [sflag:$0x9] =	stream.indirect.gather [hbm4b:s3+s16], $0x80, s13, s16, $0xb8;
	[tilespmem:$0x1E800] =	vst v63  }
0xf5: {  	s13 =	simm.s32 $0x6  }
0xf6: {  	_ =	swait.ge [sflag:s13], $0x50  }
0xf7: {  	[sflag:s13] =	ssyncset.done $0x0  }
0xf8: {  	[sflag:s13] =	ssyncadd.s32 $0xFFFFFFB0  }
0xf9: {  	_ =	swait.ge [sflag:s13], $0x50  }
0xfa: {  	[sflag:s13] =	ssyncset.done $0x0  }
0xfb: {  	s31 =	simm.s32 $0x3000;
	s26 =	simm.s32 $0x7;
	[sflag:s13] =	ssyncadd.s32 $0xFFFFFFB0  }
0xfc: {  	[tilespmem:s31], [sflag:$0xA] =	stream.indirect.gather [hbm4b:s3+s16], $0x80, s24, s16, $0xb8;
	[tilespmem:$0x1E800] =	vst v63  }
0xfd: {  	_ =	swait.ge [sflag:s26], $0x50  }
0xfe: {  	[sflag:s26] =	ssyncset.done $0x0  }
0xff: {  	[sflag:s26] =	ssyncadd.s32 $0xFFFFFFB0  }
0x100: {  	_ =	swait.ge [sflag:s26], $0x50  }
0x101: {  	[sflag:s26] =	ssyncset.done $0x0  }
0x102: {  	[sflag:s26] =	ssyncadd.s32 $0xFFFFFFB0  }
0x103: {  	[tilespmem:s20], [sflag:$0xB] =	stream.indirect.gather [hbm4b:s3+s16], $0x80, s1, s16, $0xb8;
	[tilespmem:$0x1E800] =	vst v63  }
0x104: {  	s1 =	simm.s32 $0x8  }
0x105: {  	_ =	swait.ge [sflag:s1], $0x50  }
0x106: {  	[sflag:s1] =	ssyncset.done $0x0  }
0x107: {  	[sflag:s1] =	ssyncadd.s32 $0xFFFFFFB0  }
0x108: {  	_ =	swait.ge [sflag:s1], $0x50  }
0x109: {  	[sflag:s1] =	ssyncset.done $0x0  }
0x10a: {  	s6 =	simm.s32 $0x8000;
	[sflag:s1] =	ssyncadd.s32 $0xFFFFFFB0  }
0x10b: {  	[tilespmem:s6], [sflag:$0xC] =	stream.indirect.gather [hbm4b:s3+s16], $0x80, s10, s16, $0xb8;
	[tilespmem:$0x1E800] =	vst v63  }
0x10c: {  	_ =	swait.ge [sflag:s22], $0x2800  }
0x10d: {  	[sflag:s22] =	ssyncset.done $0x0  }
0x10e: {  	[sflag:s22] =	ssyncadd.s32 $0xFFFFD800  }
0x10f: {  	[spmem:s14] =	stream.indirect.scatter.add.f32 [tilespmem:s15], [sflag:$0xD], $0x80, s18, s16, $0xb8;
	[tilespmem:$0x1E800] =	vst v63  }
0x110: {  	_ =	swait.ge [sflag:s23], $0x2800  }
0x111: {  	[sflag:s23] =	ssyncset.done $0x0  }
0x112: {  	[sflag:s23] =	ssyncadd.s32 $0xFFFFD800  }
0x113: {  	[spmem:s14] =	stream.indirect.scatter.add.f32 [tilespmem:s31], [sflag:$0xE], $0x80, s8, s16, $0xb8;
	[tilespmem:$0x1E800] =	vst v63  }
0x114: {  	_ =	swait.ge [sflag:s2], $0x2800  }
0x115: {  	[sflag:s2] =	ssyncset.done $0x0  }
0x116: {  	[sflag:s2] =	ssyncadd.s32 $0xFFFFD800  }
0x117: {  	[spmem:s14] =	stream.indirect.scatter.add.f32 [tilespmem:s20], [sflag:$0xF], $0x80, s9, s16, $0xb8;
	[tilespmem:$0x1E800] =	vst v63  }
0x118: {  	p1 =	por $0x0, $0x0;
	s30 =	simm.s32 $0xA0;
	_ =	swait.ge [sflag:s11], $0x2800  }
0x119: {  	s29 =	sadd.s32 $0x280, s21;
	s28 =	simm.s32 $0x50;
	[sflag:s11] =	ssyncset.done $0x0  }
.LBB2_4:
0x11a: {  	s2 =	simm.s32 $0xC  }
0x11b: {  	s0 =	simm.s32 @!p1 $0xD;
	s10 =	simm.s32 $0x780;
	[sflag:s2] =	ssyncadd.s32 $0xFFFFD800  }
0x11c: {  	[spmem:s14] =	stream.indirect.scatter.add.f32 [tilespmem:s6], [sflag:$0x10], $0x80, s10, s16, $0xb8;
	[tilespmem:$0x1E800] =	vst v63  }
0x11d: {  	_ =	swait.ge @!p1 [sflag:s0], $0x2800  }
0x11e: {  	[sflag:s0] =	ssyncset.done @!p1 $0x0  }
0x11f: {  	[sflag:s0] =	ssyncadd.s32 @!p1 $0xFFFFD800;
	s0 =	simm.s32 @!p1 $0xE  }
0x120: {  	_ =	swait.ge @!p1 [sflag:s0], $0x2800  }
0x121: {  	[sflag:s0] =	ssyncset.done @!p1 $0x0  }
0x122: {  	[sflag:s0] =	ssyncadd.s32 @!p1 $0xFFFFD800;
	s0 =	simm.s32 @!p1 $0xF  }
0x123: {  	_ =	swait.ge @!p1 [sflag:s0], $0x2800  }
0x124: {  	[sflag:s0] =	ssyncset.done @!p1 $0x0  }
0x125: {  	[sflag:s0] =	ssyncadd.s32 @!p1 $0xFFFFD800;
	s0 =	simm.s32 @!p1 $0x10  }
0x126: {  	_ =	swait.ge @!p1 [sflag:s0], $0x2800  }
0x127: {  	s25 =	simm.s32 $0x200;
	s4 =	rddreg [dreg:$0x12];
	[sflag:s0] =	ssyncset.done @!p1 $0x0  }
0x128: {  	s24 =	rddreg [dreg:$0x13];
	[sflag:s0] =	ssyncadd.s32 @!p1 $0xFFFFD800;
	s7 =	sadd.s32 s28, s4  }
0x129: {  	[tilespmem:s25], [sflag:$0x5] =	stream.linear.gather [hbm4b:s7+s5], $0x50, $0x38;
	[tilespmem:$0x1E800] =	vst v63  }
0x12a: {  	s8 =	rddreg [dreg:$0x10];
	s9 =	sadd.s32 s28, s24;
	s7 =	simm.s32 $0x600  }
0x12b: {  	[tilespmem:s7], [sflag:$0x5] =	stream.linear.gather [hbm4b:s9+s5], $0x50, $0x38;
	[tilespmem:$0x1E800] =	vst v63  }
0x12c: {  	s11 =	rddreg [dreg:$0x11];
	s14 =	sadd.s32 s28, s8;
	s24 =	simm.s32 $0x280  }
0x12d: {  	[tilespmem:s24], [sflag:$0x6] =	stream.linear.gather [hbm4b:s14+s5], $0x50, $0x38;
	[tilespmem:$0x1E800] =	vst v63  }
0x12e: {  	s23 =	simm.s32 $0x680;
	s17 =	rddreg [dreg:$0xe];
	s19 =	sadd.s32 s28, s11  }
0x12f: {  	[tilespmem:s23], [sflag:$0x6] =	stream.linear.gather [hbm4b:s19+s5], $0x50, $0x38;
	[tilespmem:$0x1E800] =	vst v63  }
0x130: {  	s21 =	rddreg [dreg:$0xf];
	s8 =	sadd.s32 s28, s17;
	s11 =	simm.s32 $0x300  }
0x131: {  	[tilespmem:s11], [sflag:$0x7] =	stream.linear.gather [hbm4b:s8+s5], $0x50, $0x38;
	[tilespmem:$0x1E800] =	vst v63  }
0x132: {  	s9 =	rddreg [dreg:$0xc];
	s14 =	sadd.s32 s28, s21;
	s19 =	simm.s32 $0x700  }
0x133: {  	[tilespmem:s19], [sflag:$0x7] =	stream.linear.gather [hbm4b:s14+s5], $0x50, $0x38;
	[tilespmem:$0x1E800] =	vst v63  }
0x134: {  	s17 =	rddreg [dreg:$0xd];
	s21 =	sadd.s32 s28, s9;
	s14 =	simm.s32 $0x380  }
0x135: {  	[tilespmem:s14], [sflag:$0x8] =	stream.linear.gather [hbm4b:s21+s5], $0x50, $0x38;
	[tilespmem:$0x1E800] =	vst v63  }
0x136: {  	s4 =	simm.s32 $0x1;
	s23 =	sadd.s32 s28, s17  }
0x137: {  	[tilespmem:s10], [sflag:$0x8] =	stream.linear.gather [hbm4b:s23+s5], $0x50, $0x38;
	[tilespmem:$0x1E800] =	vst v63  }
0x138: {  	_ =	swait.ge [sflag:s4], $0x50  }
0x139: {  	[sflag:s4] =	ssyncset.done $0x0  }
0x13a: {  	[sflag:s4] =	ssyncadd.s32 $0xFFFFFFB0  }
0x13b: {  	_ =	swait.ge [sflag:s4], $0x50  }
0x13c: {  	[sflag:s4] =	ssyncset.done $0x0  }
0x13d: {  	s6 =	simm.s32 $0x2;
	[sflag:s4] =	ssyncadd.s32 $0xFFFFFFB0  }
0x13e: {  	[tilespmem:s15], [sflag:$0x9] =	stream.indirect.gather [hbm4b:s3+s16], $0x80, s5, s16, $0xb8;
	[tilespmem:$0x1E800] =	vst v63  }
0x13f: {  	_ =	swait.ge [sflag:s6], $0x50  }
0x140: {  	[sflag:s6] =	ssyncset.done $0x0  }
0x141: {  	[sflag:s6] =	ssyncadd.s32 $0xFFFFFFB0  }
0x142: {  	_ =	swait.ge [sflag:s6], $0x50  }
0x143: {  	s20 =	simm.s32 $0x3000;
	[sflag:s6] =	ssyncset.done $0x0  }
0x144: {  	s7 =	simm.s32 $0x3;
	s17 =	simm.s32 $0x80;
	[sflag:s6] =	ssyncadd.s32 $0xFFFFFFB0  }
0x145: {  	[tilespmem:s20], [sflag:$0xA] =	stream.indirect.gather [hbm4b:s3+s16], $0x80, s17, s16, $0xb8;
	[tilespmem:$0x1E800] =	vst v63  }
0x146: {  	_ =	swait.ge [sflag:s7], $0x50  }
0x147: {  	[sflag:s7] =	ssyncset.done $0x0  }
0x148: {  	[sflag:s7] =	ssyncadd.s32 $0xFFFFFFB0  }
0x149: {  	_ =	swait.ge [sflag:s7], $0x50  }
0x14a: {  	s22 =	simm.s32 $0x5800;
	[sflag:s7] =	ssyncset.done $0x0  }
0x14b: {  	s9 =	simm.s32 $0x100;
	s8 =	simm.s32 $0x4;
	[sflag:s7] =	ssyncadd.s32 $0xFFFFFFB0  }
0x14c: {  	[tilespmem:s22], [sflag:$0xB] =	stream.indirect.gather [hbm4b:s3+s16], $0x80, s9, s16, $0xb8;
	[tilespmem:$0x1E800] =	vst v63  }
0x14d: {  	_ =	swait.ge [sflag:s8], $0x50  }
0x14e: {  	[sflag:s8] =	ssyncset.done $0x0  }
0x14f: {  	[sflag:s8] =	ssyncadd.s32 $0xFFFFFFB0  }
0x150: {  	_ =	swait.ge [sflag:s8], $0x50  }
0x151: {  	s18 =	simm.s32 $0x8000;
	[sflag:s8] =	ssyncset.done $0x0  }
0x152: {  	s23 =	simm.s32 $0x9;
	[sflag:s8] =	ssyncadd.s32 $0xFFFFFFB0;
	s8 =	simm.s32 $0x180  }
0x153: {  	[tilespmem:s18], [sflag:$0xC] =	stream.indirect.gather [hbm4b:s3+s16], $0x80, s8, s16, $0xb8;
	[tilespmem:$0x1E800] =	vst v63  }
0x154: {  	_ =	swait.ge [sflag:s23], $0x2800  }
0x155: {  	[sflag:s23] =	ssyncset.done $0x0  }
0x156: {  	[sflag:s23] =	ssyncadd.s32 $0xFFFFD800  }
0x157: {  	s21 =	simm.s32 $0x400;
	s22 =	simm.s32 $0xA;
	s10 =	rddreg [dreg:$0x3]  }
0x158: {  	[spmem:s10] =	stream.indirect.scatter.add.f32 [tilespmem:s15], [sflag:$0xD], $0x80, s21, s16, $0xb8;
	[tilespmem:$0x1E800] =	vst v63  }
0x159: {  	_ =	swait.ge [sflag:s22], $0x2800  }
0x15a: {  	[sflag:s22] =	ssyncset.done $0x0  }
0x15b: {  	[sflag:s22] =	ssyncadd.s32 $0xFFFFD800  }
0x15c: {  	s19 =	simm.s32 $0x480;
	s10 =	simm.s32 $0xB;
	s15 =	rddreg [dreg:$0x3]  }
0x15d: {  	[spmem:s15] =	stream.indirect.scatter.add.f32 [tilespmem:s20], [sflag:$0xE], $0x80, s19, s16, $0xb8;
	[tilespmem:$0x1E800] =	vst v63  }
0x15e: {  	_ =	swait.ge [sflag:s10], $0x2800  }
0x15f: {  	[sflag:s10] =	ssyncset.done $0x0  }
0x160: {  	[sflag:s10] =	ssyncadd.s32 $0xFFFFD800  }
0x161: {  	s7 =	simm.s32 $0x500;
	s20 =	simm.s32 $0x5800;
	s4 =	rddreg [dreg:$0x3]  }
0x162: {  	[spmem:s4] =	stream.indirect.scatter.add.f32 [tilespmem:s20], [sflag:$0xF], $0x80, s7, s16, $0xb8;
	[tilespmem:$0x1E800] =	vst v63  }
0x163: {  	_ =	swait.ge [sflag:s2], $0x2800  }
0x164: {  	[sflag:s2] =	ssyncset.done $0x0  }
0x165: {  	[sflag:s2] =	ssyncadd.s32 $0xFFFFD800  }
0x166: {  	s15 =	simm.s32 $0x580;
	s4 =	simm.s32 $0xD;
	s6 =	rddreg [dreg:$0x3]  }
0x167: {  	[spmem:s6] =	stream.indirect.scatter.add.f32 [tilespmem:s18], [sflag:$0x10], $0x80, s15, s16, $0xb8;
	[tilespmem:$0x1E800] =	vst v63  }
0x168: {  	_ =	swait.ge [sflag:s4], $0x2800  }
0x169: {  	[sflag:s4] =	ssyncset.done $0x0  }
0x16a: {  	s6 =	simm.s32 $0xE;
	[sflag:s4] =	ssyncadd.s32 $0xFFFFD800  }
0x16b: {  	_ =	swait.ge [sflag:s6], $0x2800  }
0x16c: {  	[sflag:s6] =	ssyncset.done $0x0  }
0x16d: {  	s18 =	simm.s32 $0xF;
	[sflag:s6] =	ssyncadd.s32 $0xFFFFD800  }
0x16e: {  	_ =	swait.ge [sflag:s18], $0x2800  }
0x16f: {  	[sflag:s18] =	ssyncset.done $0x0  }
0x170: {  	s0 =	simm.s32 $0x10;
	[sflag:s18] =	ssyncadd.s32 $0xFFFFD800  }
0x171: {  	_ =	swait.ge [sflag:s0], $0x2800  }
0x172: {  	[sflag:s0] =	ssyncset.done $0x0  }
0x173: {  	[sflag:s0] =	ssyncadd.s32 $0xFFFFD800  }
0x174: {  	s4 =	sshrl.u32 s29, $0x3;
	s6 =	rddreg [dreg:$0x1]  }
0x175: {  	s18 =	rddreg [dreg:$0x5];
	s0 =	sadd.s32 s6, s4  }
0x176: {  	[tilespmem:s5], [sflag:$0x1] =	stream.linear.gather [hbm4b:s0+s5], $0x50, $0x38;
	[tilespmem:$0x1E800] =	vst v63  }
0x177: {  	s18 =	sadd.s32 s28, s18;
	s6 =	rddreg [dreg:$0x6]  }
0x178: {  	[tilespmem:s21], [sflag:$0x1] =	stream.linear.gather [hbm4b:s18+s5], $0x50, $0x38;
	[tilespmem:$0x1E800] =	vst v63  }
0x179: {  	s4 =	rddreg [dreg:$0x7];
	s18 =	sadd.s32 s28, s6  }
0x17a: {  	[tilespmem:s17], [sflag:$0x2] =	stream.linear.gather [hbm4b:s18+s5], $0x50, $0x38;
	[tilespmem:$0x1E800] =	vst v63  }
0x17b: {  	s21 =	rddreg [dreg:$0x8];
	s17 =	sadd.s32 s28, s4  }
0x17c: {  	[tilespmem:s19], [sflag:$0x2] =	stream.linear.gather [hbm4b:s17+s5], $0x50, $0x38;
	[tilespmem:$0x1E800] =	vst v63  }
0x17d: {  	s18 =	rddreg [dreg:$0x9];
	s19 =	sadd.s32 s28, s21  }
0x17e: {  	[tilespmem:s9], [sflag:$0x3] =	stream.linear.gather [hbm4b:s19+s5], $0x50, $0x38;
	[tilespmem:$0x1E800] =	vst v63  }
0x17f: {  	s21 =	rddreg [dreg:$0xa];
	s17 =	sadd.s32 s28, s18  }
0x180: {  	[tilespmem:s7], [sflag:$0x3] =	stream.linear.gather [hbm4b:s17+s5], $0x50, $0x38;
	[tilespmem:$0x1E800] =	vst v63  }
0x181: {  	s18 =	rddreg [dreg:$0xb];
	s19 =	sadd.s32 s28, s21  }
0x182: {  	[tilespmem:s8], [sflag:$0x4] =	stream.linear.gather [hbm4b:s19+s5], $0x50, $0x38;
	[tilespmem:$0x1E800] =	vst v63  }
0x183: {  	s21 =	sadd.s32 s28, s18  }
0x184: {  	[tilespmem:s15], [sflag:$0x4] =	stream.linear.gather [hbm4b:s21+s5], $0x50, $0x38;
	[tilespmem:$0x1E800] =	vst v63  }
0x185: {  	_ =	swait.ge [sflag:s12], $0x50  }
0x186: {  	[sflag:s12] =	ssyncset.done $0x0  }
0x187: {  	[sflag:s12] =	ssyncadd.s32 $0xFFFFFFB0  }
0x188: {  	_ =	swait.ge [sflag:s12], $0x50  }
0x189: {  	[sflag:s12] =	ssyncset.done $0x0  }
0x18a: {  	s15 =	simm.s32 $0x800;
	[sflag:s12] =	ssyncadd.s32 $0xFFFFFFB0  }
0x18b: {  	[tilespmem:s15], [sflag:$0x9] =	stream.indirect.gather [hbm4b:s3+s16], $0x80, s25, s16, $0xb8;
	[tilespmem:$0x1E800] =	vst v63  }
0x18c: {  	_ =	swait.ge [sflag:s13], $0x50  }
0x18d: {  	[sflag:s13] =	ssyncset.done $0x0  }
0x18e: {  	[sflag:s13] =	ssyncadd.s32 $0xFFFFFFB0  }
0x18f: {  	_ =	swait.ge [sflag:s13], $0x50  }
0x190: {  	s31 =	smov.u32 s30;
	[sflag:s13] =	ssyncset.done $0x0  }
0x191: {  	s28 =	smov.u32 s31;
	s31 =	simm.s32 $0x3000;
	[sflag:s13] =	ssyncadd.s32 $0xFFFFFFB0  }
0x192: {  	[tilespmem:s31], [sflag:$0xA] =	stream.indirect.gather [hbm4b:s3+s16], $0x80, s24, s16, $0xb8;
	[tilespmem:$0x1E800] =	vst v63  }
0x193: {  	_ =	swait.ge [sflag:s26], $0x50  }
0x194: {  	[sflag:s26] =	ssyncset.done $0x0  }
0x195: {  	[sflag:s26] =	ssyncadd.s32 $0xFFFFFFB0  }
0x196: {  	_ =	swait.ge [sflag:s26], $0x50  }
0x197: {  	[sflag:s26] =	ssyncset.done $0x0  }
0x198: {  	[sflag:s26] =	ssyncadd.s32 $0xFFFFFFB0  }
0x199: {  	[tilespmem:s20], [sflag:$0xB] =	stream.indirect.gather [hbm4b:s3+s16], $0x80, s11, s16, $0xb8;
	[tilespmem:$0x1E800] =	vst v63  }
0x19a: {  	_ =	swait.ge [sflag:s1], $0x50  }
0x19b: {  	[sflag:s1] =	ssyncset.done $0x0  }
0x19c: {  	[sflag:s1] =	ssyncadd.s32 $0xFFFFFFB0  }
0x19d: {  	_ =	swait.ge [sflag:s1], $0x50  }
0x19e: {  	[sflag:s1] =	ssyncset.done $0x0  }
0x19f: {  	s6 =	simm.s32 $0x8000;
	[sflag:s1] =	ssyncadd.s32 $0xFFFFFFB0  }
0x1a0: {  	[tilespmem:s6], [sflag:$0xC] =	stream.indirect.gather [hbm4b:s3+s16], $0x80, s14, s16, $0xb8;
	[tilespmem:$0x1E800] =	vst v63  }
0x1a1: {  	s14 =	rddreg [dreg:$0x3];
	_ =	swait.ge [sflag:s23], $0x2800  }
0x1a2: {  	[sflag:s23] =	ssyncset.done $0x0  }
0x1a3: {  	[sflag:s23] =	ssyncadd.s32 $0xFFFFD800;
	s23 =	simm.s32 $0x600  }
0x1a4: {  	[spmem:s14] =	stream.indirect.scatter.add.f32 [tilespmem:s15], [sflag:$0xD], $0x80, s23, s16, $0xb8;
	[tilespmem:$0x1E800] =	vst v63  }
0x1a5: {  	_ =	swait.ge [sflag:s22], $0x2800  }
0x1a6: {  	[sflag:s22] =	ssyncset.done $0x0  }
0x1a7: {  	s30 =	sadd.s32 $0x50, s30;
	s24 =	simm.s32 $0x680;
	[sflag:s22] =	ssyncadd.s32 $0xFFFFD800  }
0x1a8: {  	[spmem:s14] =	stream.indirect.scatter.add.f32 [tilespmem:s31], [sflag:$0xE], $0x80, s24, s16, $0xb8;
	[tilespmem:$0x1E800] =	vst v63  }
0x1a9: {  	p0 =	sne.s32 s30, $0x4B0;
	_ =	swait.ge [sflag:s10], $0x2800  }
.Ltmp1:
0x1aa: {  	[sflag:s10] =	ssyncset.done $0x0;
	(pc) =	sbr.rel @p0 .LBB2_4-.Ltmp1, $4  }
0x1ab: {  	s25 =	simm.s32 $0x700;
	[sflag:s10] =	ssyncadd.s32 $0xFFFFD800  }
0x1ac: {  	[spmem:s14] =	stream.indirect.scatter.add.f32 [tilespmem:s20], [sflag:$0xF], $0x80, s25, s16, $0xb8;
	[tilespmem:$0x1E800] =	vst v63  }
0x1ad: {  	_ =	swait.ge [sflag:s2], $0x2800  }
0x1ae: {  	s29 =	sadd.s32 $0x280, s29;
	p1 =	seq.s32 s28, $0x0;
	[sflag:s2] =	ssyncset.done $0x0  }
0x1af: {  	s24 =	simm.s32 $0xC  }
0x1b0: {  	s0 =	simm.s32 @!p1 $0xD;
	s2 =	simm.s32 $0x780;
	[sflag:s24] =	ssyncadd.s32 $0xFFFFD800  }
0x1b1: {  	[spmem:s14] =	stream.indirect.scatter.add.f32 [tilespmem:s6], [sflag:$0x10], $0x80, s2, s16, $0xb8;
	[tilespmem:$0x1E800] =	vst v63  }
0x1b2: {  	_ =	swait.ge @!p1 [sflag:s0], $0x2800  }
0x1b3: {  	[sflag:s0] =	ssyncset.done @!p1 $0x0  }
0x1b4: {  	[sflag:s0] =	ssyncadd.s32 @!p1 $0xFFFFD800;
	s0 =	simm.s32 @!p1 $0xE  }
0x1b5: {  	_ =	swait.ge @!p1 [sflag:s0], $0x2800  }
0x1b6: {  	[sflag:s0] =	ssyncset.done @!p1 $0x0  }
0x1b7: {  	[sflag:s0] =	ssyncadd.s32 @!p1 $0xFFFFD800;
	s0 =	simm.s32 @!p1 $0xF  }
0x1b8: {  	_ =	swait.ge @!p1 [sflag:s0], $0x2800  }
0x1b9: {  	[sflag:s0] =	ssyncset.done @!p1 $0x0  }
0x1ba: {  	[sflag:s0] =	ssyncadd.s32 @!p1 $0xFFFFD800;
	s0 =	simm.s32 @!p1 $0x10  }
0x1bb: {  	_ =	swait.ge @!p1 [sflag:s0], $0x2800  }
0x1bc: {  	s7 =	simm.s32 $0x200;
	s4 =	rddreg [dreg:$0x12];
	[sflag:s0] =	ssyncset.done @!p1 $0x0  }
0x1bd: {  	s25 =	rddreg [dreg:$0x13];
	[sflag:s0] =	ssyncadd.s32 @!p1 $0xFFFFD800;
	s4 =	sadd.s32 s28, s4  }
0x1be: {  	[tilespmem:s7], [sflag:$0x5] =	stream.linear.gather [hbm4b:s4+s5], $0x50, $0x38;
	[tilespmem:$0x1E800] =	vst v63  }
0x1bf: {  	s17 =	simm.s32 $0x600;
	s8 =	rddreg [dreg:$0x10];
	s9 =	sadd.s32 s28, s25  }
0x1c0: {  	[tilespmem:s17], [sflag:$0x5] =	stream.linear.gather [hbm4b:s9+s5], $0x50, $0x38;
	[tilespmem:$0x1E800] =	vst v63  }
0x1c1: {  	s21 =	simm.s32 $0x280;
	s11 =	rddreg [dreg:$0x11];
	s18 =	sadd.s32 s28, s8  }
0x1c2: {  	[tilespmem:s21], [sflag:$0x6] =	stream.linear.gather [hbm4b:s18+s5], $0x50, $0x38;
	[tilespmem:$0x1E800] =	vst v63  }
0x1c3: {  	s19 =	rddreg [dreg:$0xe];
	s22 =	sadd.s32 s28, s11;
	s25 =	simm.s32 $0x680  }
0x1c4: {  	[tilespmem:s25], [sflag:$0x6] =	stream.linear.gather [hbm4b:s22+s5], $0x50, $0x38;
	[tilespmem:$0x1E800] =	vst v63  }
0x1c5: {  	s23 =	rddreg [dreg:$0xf];
	s8 =	sadd.s32 s28, s19;
	s11 =	simm.s32 $0x300  }
0x1c6: {  	[tilespmem:s11], [sflag:$0x7] =	stream.linear.gather [hbm4b:s8+s5], $0x50, $0x38;
	[tilespmem:$0x1E800] =	vst v63  }
0x1c7: {  	s19 =	simm.s32 $0x700;
	s9 =	rddreg [dreg:$0xc];
	s17 =	sadd.s32 s28, s23  }
0x1c8: {  	[tilespmem:s19], [sflag:$0x7] =	stream.linear.gather [hbm4b:s17+s5], $0x50, $0x38;
	[tilespmem:$0x1E800] =	vst v63  }
0x1c9: {  	s23 =	simm.s32 $0x380;
	s18 =	rddreg [dreg:$0xd];
	s21 =	sadd.s32 s28, s9  }
0x1ca: {  	[tilespmem:s23], [sflag:$0x8] =	stream.linear.gather [hbm4b:s21+s5], $0x50, $0x38;
	[tilespmem:$0x1E800] =	vst v63  }
0x1cb: {  	s2 =	simm.s32 $0x780;
	s7 =	simm.s32 $0x1;
	s25 =	sadd.s32 s28, s18  }
0x1cc: {  	[tilespmem:s2], [sflag:$0x8] =	stream.linear.gather [hbm4b:s25+s5], $0x50, $0x38;
	[tilespmem:$0x1E800] =	vst v63  }
0x1cd: {  	_ =	swait.ge [sflag:s7], $0x50  }
0x1ce: {  	[sflag:s7] =	ssyncset.done $0x0  }
0x1cf: {  	[sflag:s7] =	ssyncadd.s32 $0xFFFFFFB0  }
0x1d0: {  	_ =	swait.ge [sflag:s7], $0x50  }
0x1d1: {  	[sflag:s7] =	ssyncset.done $0x0  }
0x1d2: {  	s17 =	simm.s32 $0x2;
	[sflag:s7] =	ssyncadd.s32 $0xFFFFFFB0  }
0x1d3: {  	[tilespmem:s15], [sflag:$0x9] =	stream.indirect.gather [hbm4b:s3+s16], $0x80, s5, s16, $0xb8;
	[tilespmem:$0x1E800] =	vst v63  }
0x1d4: {  	_ =	swait.ge [sflag:s17], $0x50  }
0x1d5: {  	[sflag:s17] =	ssyncset.done $0x0  }
0x1d6: {  	[sflag:s17] =	ssyncadd.s32 $0xFFFFFFB0  }
0x1d7: {  	_ =	swait.ge [sflag:s17], $0x50  }
0x1d8: {  	[sflag:s17] =	ssyncset.done $0x0  }
0x1d9: {  	s4 =	simm.s32 $0x80;
	s9 =	simm.s32 $0x3;
	[sflag:s17] =	ssyncadd.s32 $0xFFFFFFB0  }
0x1da: {  	[tilespmem:s31], [sflag:$0xA] =	stream.indirect.gather [hbm4b:s3+s16], $0x80, s4, s16, $0xb8;
	[tilespmem:$0x1E800] =	vst v63  }
0x1db: {  	_ =	swait.ge [sflag:s9], $0x50  }
0x1dc: {  	[sflag:s9] =	ssyncset.done $0x0  }
0x1dd: {  	[sflag:s9] =	ssyncadd.s32 $0xFFFFFFB0  }
0x1de: {  	_ =	swait.ge [sflag:s9], $0x50  }
0x1df: {  	[sflag:s9] =	ssyncset.done $0x0  }
0x1e0: {  	s6 =	simm.s32 $0x100;
	s2 =	simm.s32 $0x4;
	[sflag:s9] =	ssyncadd.s32 $0xFFFFFFB0  }
0x1e1: {  	[tilespmem:s20], [sflag:$0xB] =	stream.indirect.gather [hbm4b:s3+s16], $0x80, s6, s16, $0xb8;
	[tilespmem:$0x1E800] =	vst v63  }
0x1e2: {  	_ =	swait.ge [sflag:s2], $0x50  }
0x1e3: {  	[sflag:s2] =	ssyncset.done $0x0  }
0x1e4: {  	[sflag:s2] =	ssyncadd.s32 $0xFFFFFFB0  }
0x1e5: {  	_ =	swait.ge [sflag:s2], $0x50  }
0x1e6: {  	s10 =	simm.s32 $0x8000;
	[sflag:s2] =	ssyncset.done $0x0  }
0x1e7: {  	s8 =	simm.s32 $0x180;
	s19 =	simm.s32 $0x9;
	[sflag:s2] =	ssyncadd.s32 $0xFFFFFFB0  }
0x1e8: {  	[tilespmem:s10], [sflag:$0xC] =	stream.indirect.gather [hbm4b:s3+s16], $0x80, s8, s16, $0xb8;
	[tilespmem:$0x1E800] =	vst v63  }
0x1e9: {  	_ =	swait.ge [sflag:s19], $0x2800  }
0x1ea: {  	[sflag:s19] =	ssyncset.done $0x0  }
0x1eb: {  	s11 =	simm.s32 $0x400;
	s21 =	simm.s32 $0xA;
	[sflag:s19] =	ssyncadd.s32 $0xFFFFD800  }
0x1ec: {  	[spmem:s14] =	stream.indirect.scatter.add.f32 [tilespmem:s15], [sflag:$0xD], $0x80, s11, s16, $0xb8;
	[tilespmem:$0x1E800] =	vst v63  }
0x1ed: {  	_ =	swait.ge [sflag:s21], $0x2800  }
0x1ee: {  	[sflag:s21] =	ssyncset.done $0x0  }
0x1ef: {  	s18 =	simm.s32 $0x480;
	s8 =	simm.s32 $0xB;
	[sflag:s21] =	ssyncadd.s32 $0xFFFFD800  }
0x1f0: {  	[spmem:s14] =	stream.indirect.scatter.add.f32 [tilespmem:s31], [sflag:$0xE], $0x80, s18, s16, $0xb8;
	[tilespmem:$0x1E800] =	vst v63  }
0x1f1: {  	_ =	swait.ge [sflag:s8], $0x2800  }
0x1f2: {  	[sflag:s8] =	ssyncset.done $0x0  }
0x1f3: {  	s23 =	simm.s32 $0x500;
	[sflag:s8] =	ssyncadd.s32 $0xFFFFD800  }
0x1f4: {  	[spmem:s14] =	stream.indirect.scatter.add.f32 [tilespmem:s20], [sflag:$0xF], $0x80, s23, s16, $0xb8;
	[tilespmem:$0x1E800] =	vst v63  }
0x1f5: {  	_ =	swait.ge [sflag:s24], $0x2800  }
0x1f6: {  	[sflag:s24] =	ssyncset.done $0x0  }
0x1f7: {  	s4 =	simm.s32 $0x580;
	[sflag:s24] =	ssyncadd.s32 $0xFFFFD800  }
0x1f8: {  	[spmem:s14] =	stream.indirect.scatter.add.f32 [tilespmem:s10], [sflag:$0x10], $0x80, s4, s16, $0xb8;
	[tilespmem:$0x1E800] =	vst v63  }
0x1f9: {  	s22 =	smov.u32 s14;
	s14 =	simm.s32 $0xD  }
0x1fa: {  	_ =	swait.ge [sflag:s14], $0x2800  }
0x1fb: {  	[sflag:s14] =	ssyncset.done $0x0  }
0x1fc: {  	s11 =	simm.s32 $0xE;
	[sflag:s14] =	ssyncadd.s32 $0xFFFFD800  }
0x1fd: {  	_ =	swait.ge [sflag:s11], $0x2800  }
0x1fe: {  	[sflag:s11] =	ssyncset.done $0x0  }
0x1ff: {  	s10 =	simm.s32 $0xF;
	[sflag:s11] =	ssyncadd.s32 $0xFFFFD800  }
0x200: {  	_ =	swait.ge [sflag:s10], $0x2800  }
0x201: {  	[sflag:s10] =	ssyncset.done $0x0  }
0x202: {  	s23 =	simm.s32 $0x10;
	[sflag:s10] =	ssyncadd.s32 $0xFFFFD800  }
0x203: {  	_ =	swait.ge [sflag:s23], $0x2800  }
0x204: {  	[sflag:s23] =	ssyncset.done $0x0  }
0x205: {  	[sflag:s23] =	ssyncadd.s32 $0xFFFFD800  }
0x206: {  	s6 =	sshrl.u32 s29, $0x3;
	s18 =	rddreg [dreg:$0x1]  }
0x207: {  	s29 =	rddreg [dreg:$0x5];
	s0 =	sadd.s32 s18, s6  }
0x208: {  	[tilespmem:s5], [sflag:$0x1] =	stream.linear.gather [hbm4b:s0+s5], $0x50, $0x38;
	[tilespmem:$0x1E800] =	vst v63  }
0x209: {  	s25 =	simm.s32 $0x400;
	s29 =	sadd.s32 s28, s29;
	s6 =	rddreg [dreg:$0x6]  }
0x20a: {  	[tilespmem:s25], [sflag:$0x1] =	stream.linear.gather [hbm4b:s29+s5], $0x50, $0x38;
	[tilespmem:$0x1E800] =	vst v63  }
0x20b: {  	s4 =	rddreg [dreg:$0x7];
	s0 =	sadd.s32 s28, s6;
	s25 =	simm.s32 $0x80  }
0x20c: {  	[tilespmem:s25], [sflag:$0x2] =	stream.linear.gather [hbm4b:s0+s5], $0x50, $0x38;
	[tilespmem:$0x1E800] =	vst v63  }
0x20d: {  	s30 =	simm.s32 $0x480;
	s6 =	rddreg [dreg:$0x8];
	s25 =	sadd.s32 s28, s4  }
0x20e: {  	[tilespmem:s30], [sflag:$0x2] =	stream.linear.gather [hbm4b:s25+s5], $0x50, $0x38;
	[tilespmem:$0x1E800] =	vst v63  }
0x20f: {  	s4 =	rddreg [dreg:$0x9];
	s0 =	sadd.s32 s28, s6;
	s25 =	simm.s32 $0x100  }
0x210: {  	[tilespmem:s25], [sflag:$0x3] =	stream.linear.gather [hbm4b:s0+s5], $0x50, $0x38;
	[tilespmem:$0x1E800] =	vst v63  }
0x211: {  	s6 =	rddreg [dreg:$0xa];
	s30 =	simm.s32 $0x500;
	s0 =	sadd.s32 s28, s4  }
0x212: {  	[tilespmem:s30], [sflag:$0x3] =	stream.linear.gather [hbm4b:s0+s5], $0x50, $0x38;
	[tilespmem:$0x1E800] =	vst v63  }
0x213: {  	s4 =	rddreg [dreg:$0xb];
	s0 =	sadd.s32 s28, s6;
	s6 =	simm.s32 $0x180  }
0x214: {  	[tilespmem:s6], [sflag:$0x4] =	stream.linear.gather [hbm4b:s0+s5], $0x50, $0x38;
	[tilespmem:$0x1E800] =	vst v63  }
0x215: {  	s0 =	sadd.s32 s28, s4;
	s4 =	simm.s32 $0x580  }
0x216: {  	[tilespmem:s4], [sflag:$0x4] =	stream.linear.gather [hbm4b:s0+s5], $0x50, $0x38;
	[tilespmem:$0x1E800] =	vst v63  }
0x217: {  	_ =	swait.ge [sflag:s12], $0x50  }
0x218: {  	[sflag:s12] =	ssyncset.done $0x0  }
0x219: {  	[sflag:s12] =	ssyncadd.s32 $0xFFFFFFB0  }
0x21a: {  	_ =	swait.ge [sflag:s12], $0x50  }
0x21b: {  	[sflag:s12] =	ssyncset.done $0x0  }
0x21c: {  	[sflag:s12] =	ssyncadd.s32 $0xFFFFFFB0;
	s12 =	simm.s32 $0x200  }
0x21d: {  	[tilespmem:s15], [sflag:$0x9] =	stream.indirect.gather [hbm4b:s3+s16], $0x80, s12, s16, $0xb8;
	[tilespmem:$0x1E800] =	vst v63  }
0x21e: {  	_ =	swait.ge [sflag:s13], $0x50  }
0x21f: {  	[sflag:s13] =	ssyncset.done $0x0  }
0x220: {  	[sflag:s13] =	ssyncadd.s32 $0xFFFFFFB0  }
0x221: {  	_ =	swait.ge [sflag:s13], $0x50  }
0x222: {  	[sflag:s13] =	ssyncset.done $0x0  }
0x223: {  	[sflag:s13] =	ssyncadd.s32 $0xFFFFFFB0;
	s13 =	simm.s32 $0x280  }
0x224: {  	[tilespmem:s31], [sflag:$0xA] =	stream.indirect.gather [hbm4b:s3+s16], $0x80, s13, s16, $0xb8;
	[tilespmem:$0x1E800] =	vst v63  }
0x225: {  	_ =	swait.ge [sflag:s26], $0x50  }
0x226: {  	[sflag:s26] =	ssyncset.done $0x0  }
0x227: {  	[sflag:s26] =	ssyncadd.s32 $0xFFFFFFB0  }
0x228: {  	_ =	swait.ge [sflag:s26], $0x50  }
0x229: {  	[sflag:s26] =	ssyncset.done $0x0  }
0x22a: {  	s12 =	simm.s32 $0x300;
	[sflag:s26] =	ssyncadd.s32 $0xFFFFFFB0  }
0x22b: {  	[tilespmem:s20], [sflag:$0xB] =	stream.indirect.gather [hbm4b:s3+s16], $0x80, s12, s16, $0xb8;
	[tilespmem:$0x1E800] =	vst v63  }
0x22c: {  	_ =	swait.ge [sflag:s1], $0x50  }
0x22d: {  	[sflag:s1] =	ssyncset.done $0x0  }
0x22e: {  	[sflag:s1] =	ssyncadd.s32 $0xFFFFFFB0  }
0x22f: {  	_ =	swait.ge [sflag:s1], $0x50  }
0x230: {  	[sflag:s1] =	ssyncset.done $0x0  }
0x231: {  	s13 =	simm.s32 $0x380;
	[sflag:s1] =	ssyncadd.s32 $0xFFFFFFB0;
	s1 =	simm.s32 $0x8000  }
0x232: {  	[tilespmem:s1], [sflag:$0xC] =	stream.indirect.gather [hbm4b:s3+s16], $0x80, s13, s16, $0xb8;
	[tilespmem:$0x1E800] =	vst v63  }
0x233: {  	_ =	swait.ge [sflag:s19], $0x2800  }
0x234: {  	[sflag:s19] =	ssyncset.done $0x0  }
0x235: {  	s26 =	simm.s32 $0x600;
	[sflag:s19] =	ssyncadd.s32 $0xFFFFD800  }
0x236: {  	[spmem:s22] =	stream.indirect.scatter.add.f32 [tilespmem:s15], [sflag:$0xD], $0x80, s26, s16, $0xb8;
	[tilespmem:$0x1E800] =	vst v63  }
0x237: {  	_ =	swait.ge [sflag:s21], $0x2800  }
0x238: {  	[sflag:s21] =	ssyncset.done $0x0  }
0x239: {  	s12 =	simm.s32 $0x680;
	[sflag:s21] =	ssyncadd.s32 $0xFFFFD800  }
0x23a: {  	[spmem:s22] =	stream.indirect.scatter.add.f32 [tilespmem:s31], [sflag:$0xE], $0x80, s12, s16, $0xb8;
	[tilespmem:$0x1E800] =	vst v63  }
0x23b: {  	_ =	swait.ge [sflag:s8], $0x2800  }
0x23c: {  	[sflag:s8] =	ssyncset.done $0x0  }
0x23d: {  	s13 =	simm.s32 $0x700;
	[sflag:s8] =	ssyncadd.s32 $0xFFFFD800  }
0x23e: {  	[spmem:s22] =	stream.indirect.scatter.add.f32 [tilespmem:s20], [sflag:$0xF], $0x80, s13, s16, $0xb8;
	[tilespmem:$0x1E800] =	vst v63  }
0x23f: {  	_ =	swait.ge [sflag:s24], $0x2800  }
0x240: {  	[sflag:s24] =	ssyncset.done $0x0  }
0x241: {  	s26 =	simm.s32 $0x780;
	[sflag:s24] =	ssyncadd.s32 $0xFFFFD800  }
0x242: {  	[spmem:s22] =	stream.indirect.scatter.add.f32 [tilespmem:s1], [sflag:$0x10], $0x80, s26, s16, $0xb8;
	[tilespmem:$0x1E800] =	vst v63  }
0x243: {  	_ =	swait.ge [sflag:s14], $0x2800  }
0x244: {  	[sflag:s14] =	ssyncset.done $0x0  }
0x245: {  	[sflag:s14] =	ssyncadd.s32 $0xFFFFD800  }
0x246: {  	_ =	swait.ge [sflag:s11], $0x2800  }
0x247: {  	[sflag:s11] =	ssyncset.done $0x0  }
0x248: {  	[sflag:s11] =	ssyncadd.s32 $0xFFFFD800  }
0x249: {  	_ =	swait.ge [sflag:s10], $0x2800  }
0x24a: {  	[sflag:s10] =	ssyncset.done $0x0  }
0x24b: {  	[sflag:s10] =	ssyncadd.s32 $0xFFFFD800  }
0x24c: {  	_ =	swait.ge [sflag:s23], $0x2800  }
0x24d: {  	[sflag:s23] =	ssyncset.done $0x0  }
0x24e: {  	[sflag:s23] =	ssyncadd.s32 $0xFFFFD800  }
0x24f: {  	_ =	swait.ge [sflag:s7], $0x50  }
0x250: {  	[sflag:s7] =	ssyncset.done $0x0  }
0x251: {  	[sflag:s7] =	ssyncadd.s32 $0xFFFFFFB0  }
0x252: {  	_ =	swait.ge [sflag:s7], $0x50  }
0x253: {  	[sflag:s7] =	ssyncset.done $0x0  }
0x254: {  	[sflag:s7] =	ssyncadd.s32 $0xFFFFFFB0  }
0x255: {  	[tilespmem:s15], [sflag:$0x9] =	stream.indirect.gather [hbm4b:s3+s16], $0x80, s5, s16, $0xb8;
	[tilespmem:$0x1E800] =	vst v63  }
0x256: {  	_ =	swait.ge [sflag:s17], $0x50  }
0x257: {  	[sflag:s17] =	ssyncset.done $0x0  }
0x258: {  	[sflag:s17] =	ssyncadd.s32 $0xFFFFFFB0  }
0x259: {  	_ =	swait.ge [sflag:s17], $0x50  }
0x25a: {  	[sflag:s17] =	ssyncset.done $0x0  }
0x25b: {  	s29 =	simm.s32 $0x80;
	[sflag:s17] =	ssyncadd.s32 $0xFFFFFFB0  }
0x25c: {  	[tilespmem:s31], [sflag:$0xA] =	stream.indirect.gather [hbm4b:s3+s16], $0x80, s29, s16, $0xb8;
	[tilespmem:$0x1E800] =	vst v63  }
0x25d: {  	_ =	swait.ge [sflag:s9], $0x50  }
0x25e: {  	[sflag:s9] =	ssyncset.done $0x0  }
0x25f: {  	[sflag:s9] =	ssyncadd.s32 $0xFFFFFFB0  }
0x260: {  	_ =	swait.ge [sflag:s9], $0x50  }
0x261: {  	[sflag:s9] =	ssyncset.done $0x0  }
0x262: {  	s25 =	simm.s32 $0x100;
	[sflag:s9] =	ssyncadd.s32 $0xFFFFFFB0  }
0x263: {  	[tilespmem:s20], [sflag:$0xB] =	stream.indirect.gather [hbm4b:s3+s16], $0x80, s25, s16, $0xb8;
	[tilespmem:$0x1E800] =	vst v63  }
0x264: {  	_ =	swait.ge [sflag:s2], $0x50  }
0x265: {  	[sflag:s2] =	ssyncset.done $0x0  }
0x266: {  	[sflag:s2] =	ssyncadd.s32 $0xFFFFFFB0  }
0x267: {  	_ =	swait.ge [sflag:s2], $0x50  }
0x268: {  	[sflag:s2] =	ssyncset.done $0x0  }
0x269: {  	s4 =	simm.s32 $0x8000;
	[sflag:s2] =	ssyncadd.s32 $0xFFFFFFB0  }
0x26a: {  	[tilespmem:s4], [sflag:$0xC] =	stream.indirect.gather [hbm4b:s3+s16], $0x80, s6, s16, $0xb8;
	[tilespmem:$0x1E800] =	vst v63  }
0x26b: {  	_ =	swait.ge [sflag:s19], $0x2800  }
0x26c: {  	[sflag:s19] =	ssyncset.done $0x0  }
0x26d: {  	s6 =	simm.s32 $0x400;
	[sflag:s19] =	ssyncadd.s32 $0xFFFFD800  }
0x26e: {  	[spmem:s22] =	stream.indirect.scatter.add.f32 [tilespmem:s15], [sflag:$0xD], $0x80, s6, s16, $0xb8;
	[tilespmem:$0x1E800] =	vst v63  }
0x26f: {  	_ =	swait.ge [sflag:s21], $0x2800  }
0x270: {  	[sflag:s21] =	ssyncset.done $0x0  }
0x271: {  	s7 =	simm.s32 $0x480;
	[sflag:s21] =	ssyncadd.s32 $0xFFFFD800  }
0x272: {  	[spmem:s22] =	stream.indirect.scatter.add.f32 [tilespmem:s31], [sflag:$0xE], $0x80, s7, s16, $0xb8;
	[tilespmem:$0x1E800] =	vst v63  }
0x273: {  	_ =	swait.ge [sflag:s8], $0x2800  }
0x274: {  	[sflag:s8] =	ssyncset.done $0x0  }
0x275: {  	s30 =	simm.s32 $0x500;
	[sflag:s8] =	ssyncadd.s32 $0xFFFFD800  }
0x276: {  	[spmem:s22] =	stream.indirect.scatter.add.f32 [tilespmem:s20], [sflag:$0xF], $0x80, s30, s16, $0xb8;
	[tilespmem:$0x1E800] =	vst v63  }
0x277: {  	_ =	swait.ge [sflag:s24], $0x2800  }
0x278: {  	[sflag:s24] =	ssyncset.done $0x0  }
0x279: {  	s0 =	simm.s32 $0x580;
	[sflag:s24] =	ssyncadd.s32 $0xFFFFD800  }
0x27a: {  	[spmem:s22] =	stream.indirect.scatter.add.f32 [tilespmem:s4], [sflag:$0x10], $0x80, s0, s16, $0xb8;
	[tilespmem:$0x1E800] =	vst v63  }
0x27b: {  	_ =	swait.ge [sflag:s14], $0x2800  }
0x27c: {  	[sflag:s14] =	ssyncset.done $0x0  }
0x27d: {  	[sflag:s14] =	ssyncadd.s32 $0xFFFFD800  }
0x27e: {  	_ =	swait.ge [sflag:s11], $0x2800  }
0x27f: {  	[sflag:s11] =	ssyncset.done $0x0  }
0x280: {  	[sflag:s11] =	ssyncadd.s32 $0xFFFFD800  }
0x281: {  	_ =	swait.ge [sflag:s10], $0x2800  }
0x282: {  	[sflag:s10] =	ssyncset.done $0x0  }
0x283: {  	[sflag:s10] =	ssyncadd.s32 $0xFFFFD800  }
0x284: {  	_ =	swait.ge [sflag:s23], $0x2800  }
0x285: {  	s9 =	sld [smem:$0x7FB]  }
0x286: {  	[sflag:s23] =	ssyncset.done $0x0  }
0x287: {  	s10 =	simm.s32 $0x11;
	[sflag:s23] =	ssyncadd.s32 $0xFFFFD800  }
0x288: {  	[tilespmem:s5], [sflag:$0x11] =	stream.linear.gather [hbm4b:s9+s5], $0x50, $0x38;
	[tilespmem:$0x1E800] =	vst v63  }
0x289: {  	_ =	swait.ge [sflag:s10], $0x50  }
0x28a: {  	s11 =	sld [smem:$0x7FC]  }
0x28b: {  	[sflag:s10] =	ssyncset.done $0x0  }
0x28c: {  	s12 =	simm.s32 $0x400;
	[sflag:s10] =	ssyncadd.s32 $0xFFFFFFB0  }
0x28d: {  	[tilespmem:s12], [sflag:$0x11] =	stream.linear.gather [hbm4b:s11+s5], $0x50, $0x38;
	[tilespmem:$0x1E800] =	vst v63  }
0x28e: {  	_ =	swait.ge [sflag:s10], $0x50  }
0x28f: {  	[sflag:s10] =	ssyncset.done $0x0  }
0x290: {  	[sflag:s10] =	ssyncadd.s32 $0xFFFFFFB0  }
0x291: {  	[tilespmem:s15], [sflag:$0x11] =	stream.indirect.gather [hbm4b:s3+s16], $0x80, s5, s16, $0xb8;
	[tilespmem:$0x1E800] =	vst v63  }
0x292: {  	_ =	swait.ge [sflag:s10], $0x2800  }
0x293: {  	[sflag:s10] =	ssyncset.done $0x0  }
0x294: {  	[sflag:s10] =	ssyncadd.s32 $0xFFFFD800  }
0x295: {  	[spmem:s22] =	stream.indirect.scatter.add.f32 [tilespmem:s15], [sflag:$0x11], $0x80, s12, s16, $0xb8;
	[tilespmem:$0x1E800] =	vst v63  }
0x296: {  	_ =	swait.ge [sflag:s10], $0x2800  }
0x297: {  	[sflag:s10] =	ssyncset.done $0x0  }
0x298: {  	[sflag:s10] =	ssyncadd.s32 $0xFFFFD800  }
0x299: {  	s13 =	stileid.u32;
	[bflag:$0x0] =	sbarrier.arrive $0xFFFF  }
0x29a: {  	s0 =	sshll.u32 s13, $0x6;
	s17 =	rddreg [dreg:$0x1e]  }
0x29b: {  	s14 =	sor.u32 $0x1C09, s0;
	s28 =	rddreg [dreg:$0x14];
	s6 =	sshrl.u32 s17, $0x3  }
0x29c: {  	[hbm:s28], [sflag:s14] =	dma.local [spmem:s6], $0x500  }
0x29d: {  	s28 =	rddreg [dreg:$0x1f]  }
0x29e: {  	s22 =	sor.u32 $0x1C0A, s0;
	s23 =	rddreg [dreg:$0x15];
	s28 =	sshrl.u32 s28, $0x3  }
0x29f: {  	[hbm:s23], [sflag:s22] =	dma.local [spmem:s28], $0x500  }
0x2a0: {  	s29 =	sld [smem:$0x7EE];
	_ =	sdelay $0x2  }
0x2a1: {  	s28 =	sor.u32 $0x1C0B, s0;
	s30 =	rddreg [dreg:$0x16];
	s29 =	sshrl.u32 s29, $0x3  }
0x2a2: {  	[hbm:s30], [sflag:s28] =	dma.local [spmem:s29], $0x500  }
0x2a3: {  	s29 =	sld [smem:$0x7EF];
	_ =	sdelay $0x2  }
0x2a4: {  	s0 =	sor.u32 $0x1C0C, s0;
	s30 =	rddreg [dreg:$0x17];
	s29 =	sshrl.u32 s29, $0x3  }
0x2a5: {  	[hbm:s30], [sflag:s0] =	dma.local [spmem:s29], $0x500  }
0x2a6: {  	s29 =	sld [smem:$0x7F0];
	_ =	sdelay $0x2  }
0x2a7: {  	s30 =	rddreg [dreg:$0x18];
	s29 =	sshrl.u32 s29, $0x3  }
0x2a8: {  	[hbm:s30], [sflag:s14] =	dma.local [spmem:s29], $0x500  }
0x2a9: {  	s30 =	sld [smem:$0x7FD];
	_ =	sdelay $0x2  }
0x2aa: {  	s29 =	rddreg [dreg:$0x19];
	s25 =	sshrl.u32 s30, $0x3  }
0x2ab: {  	[hbm:s29], [sflag:s22] =	dma.local [spmem:s25], $0x500  }
0x2ac: {  	s4 =	sld [smem:$0x7F1];
	_ =	sdelay $0x2  }
0x2ad: {  	s6 =	rddreg [dreg:$0x1a];
	s4 =	sshrl.u32 s4, $0x3  }
0x2ae: {  	[hbm:s6], [sflag:s28] =	dma.local [spmem:s4], $0x500  }
0x2af: {  	s4 =	sld [smem:$0x7F2];
	_ =	sdelay $0x2  }
0x2b0: {  	s6 =	rddreg [dreg:$0x1b];
	s4 =	sshrl.u32 s4, $0x3  }
0x2b1: {  	[hbm:s6], [sflag:s0] =	dma.local [spmem:s4], $0x500  }
0x2b2: {  	_ =	swait.ge [sflag:s19], $0x500  }
0x2b3: {  	[sflag:s19] =	ssyncset.done $0x0  }
0x2b4: {  	[sflag:s19] =	ssyncadd.s32 $0xFFFFFB00  }
0x2b5: {  	_ =	swait.ge [sflag:s21], $0x500  }
0x2b6: {  	[sflag:s21] =	ssyncset.done $0x0  }
0x2b7: {  	[sflag:s21] =	ssyncadd.s32 $0xFFFFFB00  }
0x2b8: {  	_ =	swait.ge [sflag:s8], $0x500  }
0x2b9: {  	[sflag:s8] =	ssyncset.done $0x0  }
0x2ba: {  	[sflag:s8] =	ssyncadd.s32 $0xFFFFFB00  }
0x2bb: {  	_ =	swait.ge [sflag:s24], $0x500  }
0x2bc: {  	[sflag:s24] =	ssyncset.done $0x0  }
0x2bd: {  	[sflag:s24] =	ssyncadd.s32 $0xFFFFFB00  }
0x2be: {  	_ =	swait.ge [sflag:s19], $0x500  }
0x2bf: {  	[sflag:s19] =	ssyncset.done $0x0  }
0x2c0: {  	[sflag:s19] =	ssyncadd.s32 $0xFFFFFB00  }
0x2c1: {  	_ =	swait.ge [sflag:s21], $0x500  }
0x2c2: {  	[sflag:s21] =	ssyncset.done $0x0  }
0x2c3: {  	[sflag:s21] =	ssyncadd.s32 $0xFFFFFB00  }
0x2c4: {  	_ =	swait.ge [sflag:s8], $0x500  }
0x2c5: {  	[sflag:s8] =	ssyncset.done $0x0  }
0x2c6: {  	[sflag:s8] =	ssyncadd.s32 $0xFFFFFB00  }
0x2c7: {  	_ =	swait.ge [sflag:s24], $0x500  }
0x2c8: {  	s26 =	sld [smem:$0x7ED]  }
0x2c9: {  	s29 =	sld [smem:$0x7F3];
	_ =	sdelay $0x1  }
0x2ca: {  	s1 =	simm.s32 $0x100;
	s2 =	simm.s32 $0xB;
	s7 =	sadd.s32 $0x1, s26  }
0x2cb: {  	s31 =	simm.s32 $0x480;
	s11 =	simm.s32 $0xC;
	p0 =	sne.s32 s7, s29  }
.Ltmp2:
0x2cc: {  	s12 =	simm.s32 $0x180;
	s17 =	simm.s32 $0x2;
	(pc) =	sbr.rel @p0 .LBB2_1-.Ltmp2, $4  }
0x2cd: {  	s23 =	simm.s32 $0xA;
	s14 =	simm.s32 $0x1;
	s25 =	smov.u32 s18  }
0x2ce: {  	s22 =	simm.s32 $0x9;
	s28 =	simm.s32 $0x580;
	s4 =	simm.s32 $0x400  }
0x2cf: {  	s6 =	simm.s32 $0x80;
	s19 =	simm.s32 $0x3;
	[sflag:s24] =	ssyncset.done $0x0  }
0x2d0: {  	s21 =	simm.s32 $0x4;
	[sflag:s24] =	ssyncadd.s32 $0xFFFFFB00;
	s26 =	simm.s32 $0x500  }
0x2d1: {  	_ =	sfence.sel $0x180000  }
0x2d2: {  	[bflag:$0x0] =	sbarrier.arrive $0xFFFF  }
0x2d3: {  	_ =	strace $0x90000047  }
0x2d4: {  	s0 =	stileid.u32;
	[bflag:$0x2] =	sbarrier.arrive $0xFFFF  }
0x2d5: {  	p0 =	sne.s32 s0, $0x0;
	s0 =	rddreg [dreg:$0x4]  }
0x2d6: {  	s0 =	sadd.s32 @!p0 $0x100000, s0  }
0x2d7: {  	[sflag:s0] =	ssyncadd.tile.s32 @!p0 $0x1;
	_ =	shalt  }
.Lfunc_end2:
_tile_overlayer_lowered:
.L_overlay_start_2:
0x2d8: {  	(tag) =	ssettag $0x2  }
0x2d9: {  	s0 =	rddreg [dreg:$0x0];
	s2 =	stileid.u32  }
0x2da: {  	s1 =	rddreg [dreg:$0x1];
	p0 =	sne.s32 s2, $0x0  }
0x2db: {  	s3 =	rddreg [dreg:$0x2];
	[bflag:$0x3] =	sbarrier.arrive $0xFFFF;
	s2 =	simm.s32 @!p0 $0x1C11  }
0x2dc: {  	[timem:s3], [sflag:s2] =	dma.local @!p0 [hbm:s0], s1  }
0x2dd: {  	s0 =	simm.s32 @!p0 $0x11  }
0x2de: {  	_ =	swait.ge @!p0 [sflag:s0], s1  }
0x2df: {  	s1 =	ssub.s32 @!p0 $0x0, s1;
	[sflag:s0] =	ssyncset.done @!p0 $0x0  }
0x2e0: {  	[sflag:s0] =	ssyncadd.s32 @!p0 s1  }
0x2e1: {  	[bflag:$0x3] =	sbarrier.arrive $0xFFFF  }
0x2e2: {  	_ =	shalt  }

</sc_bundles>
